<compile_context>
chip_gen: v7x
topology: tpu7x:2x2x1
jax: 0.10.2.dev20260603
libtpu: 0.0.44.dev20260713+nightly
codegen_flags: <defaults>
</compile_context>

<pallas_src>
import functools

import jax
import jax.numpy as jnp
from jax import lax
from jax.experimental import pallas as pl
from jax.experimental.pallas import tpu as pltpu
from jax.experimental.pallas import tpu_sc as plsc

N = 10000
D = 128
E = 320000
NC, NS = 2, 16
NT = NC * NS
CH = 128
CPT = 80
EPAD = NT * CPT * CH
NSP = 10112
RPT = NSP // NS
ZR = RPT // 8
SB = 14
SM = (1 << SB) - 1

_mesh = plsc.VectorSubcoreMesh(
    core_axis_name="c", subcore_axis_name="s", num_cores=NC, num_subcores=NS)


@functools.partial(
    pl.kernel,
    out_type=jax.ShapeDtypeStruct((NC, NSP, 16), jnp.float32),
    mesh=_mesh,
    scratch_types=[
        pltpu.VMEM((CPT, CH), jnp.int32),
        pltpu.VMEM((CH,), jnp.int32),
        pltpu.VMEM((CH, 16), jnp.float32),
        pltpu.VMEM((ZR, 16), jnp.float32),
        pltpu.VMEM_SHARED((NSP, 16), jnp.float32),
    ],
)
def _sc_degree(pk_hbm, degw_hbm, pk_v, idx_v, ones_v, zb_v, degsp):
    cid = lax.axis_index("c")
    sid = lax.axis_index("s")
    w = cid * NS + sid
    e0 = jnp.where(lax.iota(jnp.int32, 16) == 0,
                   jnp.float32(1), jnp.float32(0))
    z16 = jnp.zeros((16,), jnp.float32)

    def fill_ones(j, carry):
        ones_v[j, :] = e0
        return carry
    lax.fori_loop(0, CH, fill_ones, 0)

    def fill_z(j, carry):
        zb_v[j, :] = z16
        return carry
    lax.fori_loop(0, ZR, fill_z, 0)

    for q in range(8):
        pltpu.sync_copy(zb_v, degsp.at[pl.ds(sid * RPT + q * ZR, ZR)])
    pltpu.sync_copy(pk_hbm.at[w], pk_v)
    plsc.subcore_barrier()

    def chunk(j, carry):
        for k in range(CH // 16):
            sl = pl.ds(16 * k, 16)
            idx_v[sl] = lax.shift_right_logical(pk_v[j, sl], SB)
        pltpu.sync_copy(ones_v, degsp.at[idx_v], add=True)
        return carry
    lax.fori_loop(0, CPT, chunk, 0)

    plsc.subcore_barrier()
    pltpu.sync_copy(degsp.at[pl.ds(sid * RPT, RPT)],
                    degw_hbm.at[cid, pl.ds(sid * RPT, RPT)])


@functools.partial(
    pl.kernel,
    out_type=jax.ShapeDtypeStruct((NC, NSP, D), jnp.float32),
    mesh=_mesh,
    scratch_types=[
        pltpu.VMEM((CPT, CH), jnp.int32),
        pltpu.VMEM((CH,), jnp.int32),
        pltpu.VMEM((CH,), jnp.int32),
        pltpu.VMEM((CH, D), jnp.float32),
        pltpu.VMEM((CH,), jnp.int32),
        pltpu.VMEM((CH,), jnp.int32),
        pltpu.VMEM((CH, D), jnp.float32),
        pltpu.SemaphoreType.DMA,
        pltpu.SemaphoreType.DMA,
        pltpu.VMEM_SHARED((NSP, D), jnp.float32),
    ],
)
def _sc_aggregate(xp_hbm, pk_hbm, parts_hbm,
                  pk_v, src0, dst0, buf0, src1, dst1, buf1,
                  gsem0, gsem1, acc):
    cid = lax.axis_index("c")
    sid = lax.axis_index("s")
    w = cid * NS + sid
    z16 = jnp.zeros((16,), jnp.float32)

    def fill_z(j, carry):
        for k in range(D // 16):
            buf0[j, pl.ds(16 * k, 16)] = z16
        return carry
    lax.fori_loop(0, CH, fill_z, 0)

    for q in range(4):
        pltpu.sync_copy(buf0, acc.at[pl.ds(sid * RPT + q * CH, CH)])
    pltpu.sync_copy(buf0.at[pl.ds(0, RPT - 4 * CH)],
                    acc.at[pl.ds(sid * RPT + 4 * CH, RPT - 4 * CH)])
    pltpu.sync_copy(pk_hbm.at[w], pk_v)
    plsc.subcore_barrier()

    def unpack(j, sv, dv):
        for k in range(CH // 16):
            sl = pl.ds(16 * k, 16)
            v = pk_v[j, sl]
            sv[sl] = lax.bitwise_and(v, SM)
            dv[sl] = lax.shift_right_logical(v, SB)

    unpack(0, src0, dst0)
    pltpu.async_copy(xp_hbm.at[src0], buf0, gsem0)

    def step(j, carry):
        unpack(2 * j + 1, src1, dst1)
        pltpu.async_copy(xp_hbm.at[src1], buf1, gsem1)
        pltpu.make_async_copy(xp_hbm.at[src0], buf0, gsem0).wait()
        pltpu.sync_copy(buf0, acc.at[dst0], add=True)

        @pl.when(j + 1 < CPT // 2)
        def _():
            unpack(2 * j + 2, src0, dst0)
            pltpu.async_copy(xp_hbm.at[src0], buf0, gsem0)

        pltpu.make_async_copy(xp_hbm.at[src1], buf1, gsem1).wait()
        pltpu.sync_copy(buf1, acc.at[dst1], add=True)
        return carry
    lax.fori_loop(0, CPT // 2, step, 0)

    plsc.subcore_barrier()
    pltpu.sync_copy(acc.at[pl.ds(sid * RPT, RPT)],
                    parts_hbm.at[cid, pl.ds(sid * RPT, RPT)])


_R1 = 2528


def _t1_body(degw_ref, x_ref, xp_ref, dinv_ref):
    deg = jnp.sum(degw_ref[...], axis=(0, 2))
    dinv = lax.rsqrt(deg)[:, None]
    dinv_ref[...] = dinv
    xp_ref[...] = x_ref[...] * dinv


_tc_scale = pl.pallas_call(
    _t1_body,
    grid=(NSP // _R1,),
    in_specs=[
        pl.BlockSpec((NC, _R1, 16), lambda i: (0, i, 0)),
        pl.BlockSpec((_R1, D), lambda i: (i, 0)),
    ],
    out_specs=[
        pl.BlockSpec((_R1, D), lambda i: (i, 0)),
        pl.BlockSpec((_R1, 1), lambda i: (i, 0)),
    ],
    out_shape=[
        jax.ShapeDtypeStruct((NSP, D), jnp.float32),
        jax.ShapeDtypeStruct((NSP, 1), jnp.float32),
    ],
)

_R2 = 2000


def _t2_body(parts_ref, dinv_ref, out_ref):
    dinv = dinv_ref[...]
    out_ref[...] = jnp.maximum(
        (parts_ref[0] + parts_ref[1]) * dinv, jnp.float32(0))


_tc_combine = pl.pallas_call(
    _t2_body,
    grid=(N // _R2,),
    in_specs=[
        pl.BlockSpec((NC, _R2, D), lambda i: (0, i, 0)),
        pl.BlockSpec((_R2, 1), lambda i: (i, 0)),
    ],
    out_specs=pl.BlockSpec((_R2, D), lambda i: (i, 0)),
    out_shape=jax.ShapeDtypeStruct((N, D), jnp.float32),
)


@jax.jit
def kernel(x, edge_index):
    src = edge_index[0].astype(jnp.int32)
    dst = edge_index[1].astype(jnp.int32)
    pad_e = EPAD - E
    pk = jnp.left_shift(dst, SB) | src
    pad_dst = N + jnp.arange(pad_e, dtype=jnp.int32) % (NSP - N)
    pk_p = jnp.concatenate(
        [pk, jnp.left_shift(pad_dst, SB)]).reshape(NT, CPT, CH)
    x_p = jnp.pad(x, ((0, NSP - N), (0, 0)))

    degw = _sc_degree(pk_p)
    xp, dinv = _tc_scale(degw, x_p)
    parts = _sc_aggregate(xp, pk_p)
    return _tc_combine(parts, dinv)

# --- scband reference (transcript-rebuilt; emitter-appended) ---
"""Pipeline reference for scband-gcn-7430293422974 (READ-ONLY COPY).

The authoritative reference and input builder live on the scoring server;
editing this copy changes nothing except your own understanding.
"""

import jax, jax.numpy as jnp
import numpy as np

N_NODES = 10000
N_EDGES = 320000
D_FEAT = 128

def setup_inputs(seed: int = 0) -> dict:
    key = jax.random.key(seed)
    k1, k2 = jax.random.split(key)
    x = jax.random.normal(k1, (N_NODES, D_FEAT), dtype=jnp.float32)
    edge_index = jax.random.randint(k2, (2, N_EDGES), 0, N_NODES, dtype=jnp.int64)
    return {"x": x, "edge_index": edge_index}

def reference(x, edge_index):
    # edge_index_j = source (row 0), edge_index_i = destination (row 1)
    edge_index_j = edge_index[0]
    edge_index_i = edge_index[1]
    # degree over destination nodes (scatter-add of ones)
    ones = jnp.ones(edge_index_i.shape[0], dtype=x.dtype)
    deg = jnp.zeros(x.shape[0], dtype=x.dtype).at[edge_index_i].add(ones)
    deg_inv_sqrt = jnp.power(deg, -0.5)
    # per-edge normalization: gather from both endpoints
    norm = deg_inv_sqrt[edge_index_j] * deg_inv_sqrt[edge_index_i]
    # spmm with rows = edge_index_i (dst), cols = edge_index_j (src):
    # out[dst] += norm * x[src]
    msg = norm[:, None] * jnp.take(x, edge_index_j, axis=0)
    out = jax.ops.segment_sum(msg, edge_index_i, num_segments=x.shape[0])
    return jax.nn.relu(out)

if __name__ == "__main__":
    import jax
    _d = setup_inputs()
    print(jax.jit(kernel)(*tuple(_d.values())))

</pallas_src>

<mosaic_0001>
#map = affine_map<(d0, d1) -> (0, 0, 0)>
module attributes {stable_mosaic.version = 14 : i64} {
  func.func @_sc_degree(%arg0: i32, %arg1: i32, %arg2: memref<32x80x128xi32, #tpu.memory_space<hbm>>, %arg3: memref<2x10112x16xf32, #tpu.memory_space<hbm>>, %arg4: memref<80x128xi32, #tpu.memory_space<vmem>>, %arg5: memref<128xi32, #tpu.memory_space<vmem>>, %arg6: memref<128x16xf32, #tpu.memory_space<vmem>>, %arg7: memref<79x16xf32, #tpu.memory_space<vmem>>, %arg8: memref<10112x16xf32, #tpu.memory_space<vmem_shared>>) attributes {dimension_semantics = [#tpu.dimension_semantics<core_parallel>, #tpu.dimension_semantics<subcore_parallel>], iteration_bounds = array<i64: 2, 16>, scalar_prefetch = 0 : i64, scratch_operands = 5 : i64, tpu.core_type = #tpu.core_type<sc_vector_subcore>, window_params = [{transform_indices = #map}, {transform_indices = #map}]} {
    %mul3A = arith.constant 16 : i32
    %mul3A_0 = arith.muli %arg0, %mul3A : i32
    %add3A = arith.addi %mul3A_0, %arg1 : i32
    %iota3A = tpu.iota {dimensions = array<i32: 0>} : vector<16xi32>
    %eq3A = arith.constant 0 : i32
    %eq3A_1 = vector.broadcast %eq3A : i32 to vector<16xi32>
    %eq3A_2 = arith.cmpi eq, %iota3A, %eq3A_1 : vector<16xi32>
    %jit3A = arith.constant 1.000000e+00 : f32
    %jit3A_3 = arith.constant 0.000000e+00 : f32
    %broadcast_in_dim3A = vector.broadcast %jit3A : f32 to vector<16xf32>
    %broadcast_in_dim3A_4 = vector.broadcast %jit3A_3 : f32 to vector<16xf32>
    %select_n3A = arith.select %eq3A_2, %broadcast_in_dim3A, %broadcast_in_dim3A_4 : vector<16xi1>, vector<16xf32>
    %broadcast_in_dim3A_5 = arith.constant 0.000000e+00 : f32
    %broadcast_in_dim3A_6 = vector.broadcast %broadcast_in_dim3A_5 : f32 to vector<16xf32>
    %scan3A = arith.constant 0 : i32
    %scan3A_7 = arith.constant 0 : i32
    %scan3A_8 = arith.constant 128 : i32
    %scan3A_9 = arith.addi %scan3A_7, %scan3A_8 : i32
    %scan3A_10 = arith.constant 1 : i32
    scf.for %scan3A_61 = %scan3A_7 to %scan3A_9 step %scan3A_10  : i32 {
      %swap3A = arith.index_cast %scan3A_61 : i32 to index
      %swap3A_62 = arith.constant 0 : index
      %swap3A_63 = tpu.vector_load %arg6[%swap3A, %swap3A_62] {strides = array<i32>} : memref<128x16xf32, #tpu.memory_space<vmem>>, vector<1x16xf32>,
      %swap3A_64 = vector.shape_cast %swap3A_63 : vector<1x16xf32> to vector<16xf32>
      %swap3A_65 = vector.shape_cast %select_n3A : vector<16xf32> to vector<1x16xf32>
      tpu.vector_store %arg6[%swap3A, %swap3A_62], %swap3A_65 {strides = array<i32>} : memref<128x16xf32, #tpu.memory_space<vmem>>, vector<1x16xf32>,
    }
    %scan3A_11 = arith.constant 128 : i32
    %scan3A_12 = arith.constant 0 : i32
    %scan3A_13 = arith.constant 0 : i32
    %scan3A_14 = arith.constant 79 : i32
    %scan3A_15 = arith.addi %scan3A_13, %scan3A_14 : i32
    %scan3A_16 = arith.constant 1 : i32
    scf.for %scan3A_61 = %scan3A_13 to %scan3A_15 step %scan3A_16  : i32 {
      %swap3A = arith.index_cast %scan3A_61 : i32 to index
      %swap3A_62 = arith.constant 0 : index
      %swap3A_63 = tpu.vector_load %arg7[%swap3A, %swap3A_62] {strides = array<i32>} : memref<79x16xf32, #tpu.memory_space<vmem>>, vector<1x16xf32>,
      %swap3A_64 = vector.shape_cast %swap3A_63 : vector<1x16xf32> to vector<16xf32>
      %swap3A_65 = vector.shape_cast %broadcast_in_dim3A_6 : vector<16xf32> to vector<1x16xf32>
      tpu.vector_store %arg7[%swap3A, %swap3A_62], %swap3A_65 {strides = array<i32>} : memref<79x16xf32, #tpu.memory_space<vmem>>, vector<1x16xf32>,
    }
    %scan3A_17 = arith.constant 79 : i32
    %mul3A_18 = arith.constant 632 : i32
    %mul3A_19 = arith.muli %arg1, %mul3A_18 : i32
    %add3A_20 = arith.constant 0 : i32
    %add3A_21 = arith.addi %mul3A_19, %add3A_20 : i32
    "tpu.region"() ({
      %run_scoped3A = tpu.sem_alloc : memref<!tpu.dma_semaphore, #tpu.memory_space<semaphore_mem>>
      %dma_start3A = arith.constant 0 : i32
      %dma_start3A_61 = tpu.memref_slice %arg8[%add3A_21, %dma_start3A] : memref<10112x16xf32, #tpu.memory_space<vmem_shared>> -> memref<79x16xf32, #tpu.memory_space<vmem_shared>>
      %dma_start3A_62 = arith.constant 0 : i32
      %dma_start3A_63 = tpu.memref_slice %arg8[%add3A_21, %dma_start3A_62] : memref<10112x16xf32, #tpu.memory_space<vmem_shared>> -> memref<79x16xf32, #tpu.memory_space<vmem_shared>>
      tpu.enqueue_dma source(%arg7 : memref<79x16xf32, #tpu.memory_space<vmem>>) target(%dma_start3A_63 : memref<79x16xf32, #tpu.memory_space<vmem_shared>>) target_semaphore(%run_scoped3A : memref<!tpu.dma_semaphore, #tpu.memory_space<semaphore_mem>>)
      %dma_wait3A = arith.constant 0 : i32
      %dma_wait3A_64 = tpu.memref_slice %arg8[%add3A_21, %dma_wait3A] : memref<10112x16xf32, #tpu.memory_space<vmem_shared>> -> memref<79x16xf32, #tpu.memory_space<vmem_shared>>
      %dma_wait3A_65 = arith.constant 0 : i32
      %dma_wait3A_66 = tpu.memref_slice %arg8[%add3A_21, %dma_wait3A_65] : memref<10112x16xf32, #tpu.memory_space<vmem_shared>> -> memref<79x16xf32, #tpu.memory_space<vmem_shared>>
      tpu.wait_dma2 semaphore(%run_scoped3A : memref<!tpu.dma_semaphore, #tpu.memory_space<semaphore_mem>>) src(%arg7 : memref<79x16xf32, #tpu.memory_space<vmem>>) dst(%dma_wait3A_66 : memref<79x16xf32, #tpu.memory_space<vmem_shared>>)
      tpu.yield
    }) : () -> ()
    %mul3A_22 = arith.constant 632 : i32
    %mul3A_23 = arith.muli %arg1, %mul3A_22 : i32
    %add3A_24 = arith.constant 79 : i32
    %add3A_25 = arith.addi %mul3A_23, %add3A_24 : i32
    "tpu.region"() ({
      %run_scoped3A = tpu.sem_alloc : memref<!tpu.dma_semaphore, #tpu.memory_space<semaphore_mem>>
      %dma_start3A = arith.constant 0 : i32
      %dma_start3A_61 = tpu.memref_slice %arg8[%add3A_25, %dma_start3A] : memref<10112x16xf32, #tpu.memory_space<vmem_shared>> -> memref<79x16xf32, #tpu.memory_space<vmem_shared>>
      %dma_start3A_62 = arith.constant 0 : i32
      %dma_start3A_63 = tpu.memref_slice %arg8[%add3A_25, %dma_start3A_62] : memref<10112x16xf32, #tpu.memory_space<vmem_shared>> -> memref<79x16xf32, #tpu.memory_space<vmem_shared>>
      tpu.enqueue_dma source(%arg7 : memref<79x16xf32, #tpu.memory_space<vmem>>) target(%dma_start3A_63 : memref<79x16xf32, #tpu.memory_space<vmem_shared>>) target_semaphore(%run_scoped3A : memref<!tpu.dma_semaphore, #tpu.memory_space<semaphore_mem>>)
      %dma_wait3A = arith.constant 0 : i32
      %dma_wait3A_64 = tpu.memref_slice %arg8[%add3A_25, %dma_wait3A] : memref<10112x16xf32, #tpu.memory_space<vmem_shared>> -> memref<79x16xf32, #tpu.memory_space<vmem_shared>>
      %dma_wait3A_65 = arith.constant 0 : i32
      %dma_wait3A_66 = tpu.memref_slice %arg8[%add3A_25, %dma_wait3A_65] : memref<10112x16xf32, #tpu.memory_space<vmem_shared>> -> memref<79x16xf32, #tpu.memory_space<vmem_shared>>
      tpu.wait_dma2 semaphore(%run_scoped3A : memref<!tpu.dma_semaphore, #tpu.memory_space<semaphore_mem>>) src(%arg7 : memref<79x16xf32, #tpu.memory_space<vmem>>) dst(%dma_wait3A_66 : memref<79x16xf32, #tpu.memory_space<vmem_shared>>)
      tpu.yield
    }) : () -> ()
    %mul3A_26 = arith.constant 632 : i32
    %mul3A_27 = arith.muli %arg1, %mul3A_26 : i32
    %add3A_28 = arith.constant 158 : i32
    %add3A_29 = arith.addi %mul3A_27, %add3A_28 : i32
    "tpu.region"() ({
      %run_scoped3A = tpu.sem_alloc : memref<!tpu.dma_semaphore, #tpu.memory_space<semaphore_mem>>
      %dma_start3A = arith.constant 0 : i32
      %dma_start3A_61 = tpu.memref_slice %arg8[%add3A_29, %dma_start3A] : memref<10112x16xf32, #tpu.memory_space<vmem_shared>> -> memref<79x16xf32, #tpu.memory_space<vmem_shared>>
      %dma_start3A_62 = arith.constant 0 : i32
      %dma_start3A_63 = tpu.memref_slice %arg8[%add3A_29, %dma_start3A_62] : memref<10112x16xf32, #tpu.memory_space<vmem_shared>> -> memref<79x16xf32, #tpu.memory_space<vmem_shared>>
      tpu.enqueue_dma source(%arg7 : memref<79x16xf32, #tpu.memory_space<vmem>>) target(%dma_start3A_63 : memref<79x16xf32, #tpu.memory_space<vmem_shared>>) target_semaphore(%run_scoped3A : memref<!tpu.dma_semaphore, #tpu.memory_space<semaphore_mem>>)
      %dma_wait3A = arith.constant 0 : i32
      %dma_wait3A_64 = tpu.memref_slice %arg8[%add3A_29, %dma_wait3A] : memref<10112x16xf32, #tpu.memory_space<vmem_shared>> -> memref<79x16xf32, #tpu.memory_space<vmem_shared>>
      %dma_wait3A_65 = arith.constant 0 : i32
      %dma_wait3A_66 = tpu.memref_slice %arg8[%add3A_29, %dma_wait3A_65] : memref<10112x16xf32, #tpu.memory_space<vmem_shared>> -> memref<79x16xf32, #tpu.memory_space<vmem_shared>>
      tpu.wait_dma2 semaphore(%run_scoped3A : memref<!tpu.dma_semaphore, #tpu.memory_space<semaphore_mem>>) src(%arg7 : memref<79x16xf32, #tpu.memory_space<vmem>>) dst(%dma_wait3A_66 : memref<79x16xf32, #tpu.memory_space<vmem_shared>>)
      tpu.yield
    }) : () -> ()
    %mul3A_30 = arith.constant 632 : i32
    %mul3A_31 = arith.muli %arg1, %mul3A_30 : i32
    %add3A_32 = arith.constant 237 : i32
    %add3A_33 = arith.addi %mul3A_31, %add3A_32 : i32
    "tpu.region"() ({
      %run_scoped3A = tpu.sem_alloc : memref<!tpu.dma_semaphore, #tpu.memory_space<semaphore_mem>>
      %dma_start3A = arith.constant 0 : i32
      %dma_start3A_61 = tpu.memref_slice %arg8[%add3A_33, %dma_start3A] : memref<10112x16xf32, #tpu.memory_space<vmem_shared>> -> memref<79x16xf32, #tpu.memory_space<vmem_shared>>
      %dma_start3A_62 = arith.constant 0 : i32
      %dma_start3A_63 = tpu.memref_slice %arg8[%add3A_33, %dma_start3A_62] : memref<10112x16xf32, #tpu.memory_space<vmem_shared>> -> memref<79x16xf32, #tpu.memory_space<vmem_shared>>
      tpu.enqueue_dma source(%arg7 : memref<79x16xf32, #tpu.memory_space<vmem>>) target(%dma_start3A_63 : memref<79x16xf32, #tpu.memory_space<vmem_shared>>) target_semaphore(%run_scoped3A : memref<!tpu.dma_semaphore, #tpu.memory_space<semaphore_mem>>)
      %dma_wait3A = arith.constant 0 : i32
      %dma_wait3A_64 = tpu.memref_slice %arg8[%add3A_33, %dma_wait3A] : memref<10112x16xf32, #tpu.memory_space<vmem_shared>> -> memref<79x16xf32, #tpu.memory_space<vmem_shared>>
      %dma_wait3A_65 = arith.constant 0 : i32
      %dma_wait3A_66 = tpu.memref_slice %arg8[%add3A_33, %dma_wait3A_65] : memref<10112x16xf32, #tpu.memory_space<vmem_shared>> -> memref<79x16xf32, #tpu.memory_space<vmem_shared>>
      tpu.wait_dma2 semaphore(%run_scoped3A : memref<!tpu.dma_semaphore, #tpu.memory_space<semaphore_mem>>) src(%arg7 : memref<79x16xf32, #tpu.memory_space<vmem>>) dst(%dma_wait3A_66 : memref<79x16xf32, #tpu.memory_space<vmem_shared>>)
      tpu.yield
    }) : () -> ()
    %mul3A_34 = arith.constant 632 : i32
    %mul3A_35 = arith.muli %arg1, %mul3A_34 : i32
    %add3A_36 = arith.constant 316 : i32
    %add3A_37 = arith.addi %mul3A_35, %add3A_36 : i32
    "tpu.region"() ({
      %run_scoped3A = tpu.sem_alloc : memref<!tpu.dma_semaphore, #tpu.memory_space<semaphore_mem>>
      %dma_start3A = arith.constant 0 : i32
      %dma_start3A_61 = tpu.memref_slice %arg8[%add3A_37, %dma_start3A] : memref<10112x16xf32, #tpu.memory_space<vmem_shared>> -> memref<79x16xf32, #tpu.memory_space<vmem_shared>>
      %dma_start3A_62 = arith.constant 0 : i32
      %dma_start3A_63 = tpu.memref_slice %arg8[%add3A_37, %dma_start3A_62] : memref<10112x16xf32, #tpu.memory_space<vmem_shared>> -> memref<79x16xf32, #tpu.memory_space<vmem_shared>>
      tpu.enqueue_dma source(%arg7 : memref<79x16xf32, #tpu.memory_space<vmem>>) target(%dma_start3A_63 : memref<79x16xf32, #tpu.memory_space<vmem_shared>>) target_semaphore(%run_scoped3A : memref<!tpu.dma_semaphore, #tpu.memory_space<semaphore_mem>>)
      %dma_wait3A = arith.constant 0 : i32
      %dma_wait3A_64 = tpu.memref_slice %arg8[%add3A_37, %dma_wait3A] : memref<10112x16xf32, #tpu.memory_space<vmem_shared>> -> memref<79x16xf32, #tpu.memory_space<vmem_shared>>
      %dma_wait3A_65 = arith.constant 0 : i32
      %dma_wait3A_66 = tpu.memref_slice %arg8[%add3A_37, %dma_wait3A_65] : memref<10112x16xf32, #tpu.memory_space<vmem_shared>> -> memref<79x16xf32, #tpu.memory_space<vmem_shared>>
      tpu.wait_dma2 semaphore(%run_scoped3A : memref<!tpu.dma_semaphore, #tpu.memory_space<semaphore_mem>>) src(%arg7 : memref<79x16xf32, #tpu.memory_space<vmem>>) dst(%dma_wait3A_66 : memref<79x16xf32, #tpu.memory_space<vmem_shared>>)
      tpu.yield
    }) : () -> ()
    %mul3A_38 = arith.constant 632 : i32
    %mul3A_39 = arith.muli %arg1, %mul3A_38 : i32
    %add3A_40 = arith.constant 395 : i32
    %add3A_41 = arith.addi %mul3A_39, %add3A_40 : i32
    "tpu.region"() ({
      %run_scoped3A = tpu.sem_alloc : memref<!tpu.dma_semaphore, #tpu.memory_space<semaphore_mem>>
      %dma_start3A = arith.constant 0 : i32
      %dma_start3A_61 = tpu.memref_slice %arg8[%add3A_41, %dma_start3A] : memref<10112x16xf32, #tpu.memory_space<vmem_shared>> -> memref<79x16xf32, #tpu.memory_space<vmem_shared>>
      %dma_start3A_62 = arith.constant 0 : i32
      %dma_start3A_63 = tpu.memref_slice %arg8[%add3A_41, %dma_start3A_62] : memref<10112x16xf32, #tpu.memory_space<vmem_shared>> -> memref<79x16xf32, #tpu.memory_space<vmem_shared>>
      tpu.enqueue_dma source(%arg7 : memref<79x16xf32, #tpu.memory_space<vmem>>) target(%dma_start3A_63 : memref<79x16xf32, #tpu.memory_space<vmem_shared>>) target_semaphore(%run_scoped3A : memref<!tpu.dma_semaphore, #tpu.memory_space<semaphore_mem>>)
      %dma_wait3A = arith.constant 0 : i32
      %dma_wait3A_64 = tpu.memref_slice %arg8[%add3A_41, %dma_wait3A] : memref<10112x16xf32, #tpu.memory_space<vmem_shared>> -> memref<79x16xf32, #tpu.memory_space<vmem_shared>>
      %dma_wait3A_65 = arith.constant 0 : i32
      %dma_wait3A_66 = tpu.memref_slice %arg8[%add3A_41, %dma_wait3A_65] : memref<10112x16xf32, #tpu.memory_space<vmem_shared>> -> memref<79x16xf32, #tpu.memory_space<vmem_shared>>
      tpu.wait_dma2 semaphore(%run_scoped3A : memref<!tpu.dma_semaphore, #tpu.memory_space<semaphore_mem>>) src(%arg7 : memref<79x16xf32, #tpu.memory_space<vmem>>) dst(%dma_wait3A_66 : memref<79x16xf32, #tpu.memory_space<vmem_shared>>)
      tpu.yield
    }) : () -> ()
    %mul3A_42 = arith.constant 632 : i32
    %mul3A_43 = arith.muli %arg1, %mul3A_42 : i32
    %add3A_44 = arith.constant 474 : i32
    %add3A_45 = arith.addi %mul3A_43, %add3A_44 : i32
    "tpu.region"() ({
      %run_scoped3A = tpu.sem_alloc : memref<!tpu.dma_semaphore, #tpu.memory_space<semaphore_mem>>
      %dma_start3A = arith.constant 0 : i32
      %dma_start3A_61 = tpu.memref_slice %arg8[%add3A_45, %dma_start3A] : memref<10112x16xf32, #tpu.memory_space<vmem_shared>> -> memref<79x16xf32, #tpu.memory_space<vmem_shared>>
      %dma_start3A_62 = arith.constant 0 : i32
      %dma_start3A_63 = tpu.memref_slice %arg8[%add3A_45, %dma_start3A_62] : memref<10112x16xf32, #tpu.memory_space<vmem_shared>> -> memref<79x16xf32, #tpu.memory_space<vmem_shared>>
      tpu.enqueue_dma source(%arg7 : memref<79x16xf32, #tpu.memory_space<vmem>>) target(%dma_start3A_63 : memref<79x16xf32, #tpu.memory_space<vmem_shared>>) target_semaphore(%run_scoped3A : memref<!tpu.dma_semaphore, #tpu.memory_space<semaphore_mem>>)
      %dma_wait3A = arith.constant 0 : i32
      %dma_wait3A_64 = tpu.memref_slice %arg8[%add3A_45, %dma_wait3A] : memref<10112x16xf32, #tpu.memory_space<vmem_shared>> -> memref<79x16xf32, #tpu.memory_space<vmem_shared>>
      %dma_wait3A_65 = arith.constant 0 : i32
      %dma_wait3A_66 = tpu.memref_slice %arg8[%add3A_45, %dma_wait3A_65] : memref<10112x16xf32, #tpu.memory_space<vmem_shared>> -> memref<79x16xf32, #tpu.memory_space<vmem_shared>>
      tpu.wait_dma2 semaphore(%run_scoped3A : memref<!tpu.dma_semaphore, #tpu.memory_space<semaphore_mem>>) src(%arg7 : memref<79x16xf32, #tpu.memory_space<vmem>>) dst(%dma_wait3A_66 : memref<79x16xf32, #tpu.memory_space<vmem_shared>>)
      tpu.yield
    }) : () -> ()
    %mul3A_46 = arith.constant 632 : i32
    %mul3A_47 = arith.muli %arg1, %mul3A_46 : i32
    %add3A_48 = arith.constant 553 : i32
    %add3A_49 = arith.addi %mul3A_47, %add3A_48 : i32
    "tpu.region"() ({
      %run_scoped3A = tpu.sem_alloc : memref<!tpu.dma_semaphore, #tpu.memory_space<semaphore_mem>>
      %dma_start3A = arith.constant 0 : i32
      %dma_start3A_61 = tpu.memref_slice %arg8[%add3A_49, %dma_start3A] : memref<10112x16xf32, #tpu.memory_space<vmem_shared>> -> memref<79x16xf32, #tpu.memory_space<vmem_shared>>
      %dma_start3A_62 = arith.constant 0 : i32
      %dma_start3A_63 = tpu.memref_slice %arg8[%add3A_49, %dma_start3A_62] : memref<10112x16xf32, #tpu.memory_space<vmem_shared>> -> memref<79x16xf32, #tpu.memory_space<vmem_shared>>
      tpu.enqueue_dma source(%arg7 : memref<79x16xf32, #tpu.memory_space<vmem>>) target(%dma_start3A_63 : memref<79x16xf32, #tpu.memory_space<vmem_shared>>) target_semaphore(%run_scoped3A : memref<!tpu.dma_semaphore, #tpu.memory_space<semaphore_mem>>)
      %dma_wait3A = arith.constant 0 : i32
      %dma_wait3A_64 = tpu.memref_slice %arg8[%add3A_49, %dma_wait3A] : memref<10112x16xf32, #tpu.memory_space<vmem_shared>> -> memref<79x16xf32, #tpu.memory_space<vmem_shared>>
      %dma_wait3A_65 = arith.constant 0 : i32
      %dma_wait3A_66 = tpu.memref_slice %arg8[%add3A_49, %dma_wait3A_65] : memref<10112x16xf32, #tpu.memory_space<vmem_shared>> -> memref<79x16xf32, #tpu.memory_space<vmem_shared>>
      tpu.wait_dma2 semaphore(%run_scoped3A : memref<!tpu.dma_semaphore, #tpu.memory_space<semaphore_mem>>) src(%arg7 : memref<79x16xf32, #tpu.memory_space<vmem>>) dst(%dma_wait3A_66 : memref<79x16xf32, #tpu.memory_space<vmem_shared>>)
      tpu.yield
    }) : () -> ()
    "tpu.region"() ({
      %run_scoped3A = tpu.sem_alloc : memref<!tpu.dma_semaphore, #tpu.memory_space<semaphore_mem>>
      %dma_start3A = arith.constant 0 : i32
      %dma_start3A_61 = arith.constant 0 : i32
      %dma_start3A_62 = tpu.memref_slice %arg2[%add3A, %dma_start3A, %dma_start3A_61] : memref<32x80x128xi32, #tpu.memory_space<hbm>> -> memref<1x80x128xi32, #tpu.memory_space<hbm>>
      %dma_start3A_63 = tpu.memref_squeeze %dma_start3A_62 : memref<1x80x128xi32, #tpu.memory_space<hbm>> -> memref<80x128xi32, #tpu.memory_space<hbm>>
      %dma_start3A_64 = arith.constant 0 : i32
      %dma_start3A_65 = arith.constant 0 : i32
      %dma_start3A_66 = tpu.memref_slice %arg2[%add3A, %dma_start3A_64, %dma_start3A_65] : memref<32x80x128xi32, #tpu.memory_space<hbm>> -> memref<1x80x128xi32, #tpu.memory_space<hbm>>
      %dma_start3A_67 = tpu.memref_squeeze %dma_start3A_66 : memref<1x80x128xi32, #tpu.memory_space<hbm>> -> memref<80x128xi32, #tpu.memory_space<hbm>>
      tpu.enqueue_dma source(%dma_start3A_67 : memref<80x128xi32, #tpu.memory_space<hbm>>) target(%arg4 : memref<80x128xi32, #tpu.memory_space<vmem>>) target_semaphore(%run_scoped3A : memref<!tpu.dma_semaphore, #tpu.memory_space<semaphore_mem>>)
      %dma_wait3A = arith.constant 0 : i32
      %dma_wait3A_68 = arith.constant 0 : i32
      %dma_wait3A_69 = tpu.memref_slice %arg2[%add3A, %dma_wait3A, %dma_wait3A_68] : memref<32x80x128xi32, #tpu.memory_space<hbm>> -> memref<1x80x128xi32, #tpu.memory_space<hbm>>
      %dma_wait3A_70 = tpu.memref_squeeze %dma_wait3A_69 : memref<1x80x128xi32, #tpu.memory_space<hbm>> -> memref<80x128xi32, #tpu.memory_space<hbm>>
      %dma_wait3A_71 = arith.constant 0 : i32
      %dma_wait3A_72 = arith.constant 0 : i32
      %dma_wait3A_73 = tpu.memref_slice %arg2[%add3A, %dma_wait3A_71, %dma_wait3A_72] : memref<32x80x128xi32, #tpu.memory_space<hbm>> -> memref<1x80x128xi32, #tpu.memory_space<hbm>>
      %dma_wait3A_74 = tpu.memref_squeeze %dma_wait3A_73 : memref<1x80x128xi32, #tpu.memory_space<hbm>> -> memref<80x128xi32, #tpu.memory_space<hbm>>
      tpu.wait_dma2 semaphore(%run_scoped3A : memref<!tpu.dma_semaphore, #tpu.memory_space<semaphore_mem>>) src(%dma_wait3A_74 : memref<80x128xi32, #tpu.memory_space<hbm>>) dst(%arg4 : memref<80x128xi32, #tpu.memory_space<vmem>>)
      tpu.yield
    }) : () -> ()
    %barrier3A = arith.constant 0 : index
    tpu.barrier barrier_id(%barrier3A)
    %scan3A_50 = arith.constant 0 : i32
    %scan3A_51 = arith.constant 0 : i32
    %scan3A_52 = arith.constant 80 : i32
    %scan3A_53 = arith.addi %scan3A_51, %scan3A_52 : i32
    %scan3A_54 = arith.constant 1 : i32
    scf.for %scan3A_61 = %scan3A_51 to %scan3A_53 step %scan3A_54  : i32 {
      %get3A = arith.index_cast %scan3A_61 : i32 to index
      %get3A_62 = arith.constant 0 : index
      %get3A_63 = tpu.vector_load %arg4[%get3A, %get3A_62] {strides = array<i32>} : memref<80x128xi32, #tpu.memory_space<vmem>>, vector<1x16xi32>,
      %get3A_64 = vector.shape_cast %get3A_63 : vector<1x16xi32> to vector<16xi32>
      %shift_right_logical3A = arith.constant 14 : i32
      %shift_right_logical3A_65 = vector.broadcast %shift_right_logical3A : i32 to vector<16xi32>
      %shift_right_logical3A_66 = arith.shrui %get3A_64, %shift_right_logical3A_65 : vector<16xi32>
      %swap3A = arith.constant 0 : index
      %swap3A_67 = tpu.vector_load %arg5[%swap3A] {strides = array<i32>} : memref<128xi32, #tpu.memory_space<vmem>>, vector<16xi32>,
      %swap3A_68 = vector.shape_cast %swap3A_67 : vector<16xi32> to vector<16xi32>
      %swap3A_69 = vector.shape_cast %shift_right_logical3A_66 : vector<16xi32> to vector<16xi32>
      tpu.vector_store %arg5[%swap3A], %swap3A_69 {strides = array<i32>} : memref<128xi32, #tpu.memory_space<vmem>>, vector<16xi32>,
      %get3A_70 = arith.index_cast %scan3A_61 : i32 to index
      %get3A_71 = arith.constant 16 : index
      %get3A_72 = tpu.vector_load %arg4[%get3A_70, %get3A_71] {strides = array<i32>} : memref<80x128xi32, #tpu.memory_space<vmem>>, vector<1x16xi32>,
      %get3A_73 = vector.shape_cast %get3A_72 : vector<1x16xi32> to vector<16xi32>
      %shift_right_logical3A_74 = arith.constant 14 : i32
      %shift_right_logical3A_75 = vector.broadcast %shift_right_logical3A_74 : i32 to vector<16xi32>
      %shift_right_logical3A_76 = arith.shrui %get3A_73, %shift_right_logical3A_75 : vector<16xi32>
      %swap3A_77 = arith.constant 16 : index
      %swap3A_78 = tpu.vector_load %arg5[%swap3A_77] {strides = array<i32>} : memref<128xi32, #tpu.memory_space<vmem>>, vector<16xi32>,
      %swap3A_79 = vector.shape_cast %swap3A_78 : vector<16xi32> to vector<16xi32>
      %swap3A_80 = vector.shape_cast %shift_right_logical3A_76 : vector<16xi32> to vector<16xi32>
      tpu.vector_store %arg5[%swap3A_77], %swap3A_80 {strides = array<i32>} : memref<128xi32, #tpu.memory_space<vmem>>, vector<16xi32>,
      %get3A_81 = arith.index_cast %scan3A_61 : i32 to index
      %get3A_82 = arith.constant 32 : index
      %get3A_83 = tpu.vector_load %arg4[%get3A_81, %get3A_82] {strides = array<i32>} : memref<80x128xi32, #tpu.memory_space<vmem>>, vector<1x16xi32>,
      %get3A_84 = vector.shape_cast %get3A_83 : vector<1x16xi32> to vector<16xi32>
      %shift_right_logical3A_85 = arith.constant 14 : i32
      %shift_right_logical3A_86 = vector.broadcast %shift_right_logical3A_85 : i32 to vector<16xi32>
      %shift_right_logical3A_87 = arith.shrui %get3A_84, %shift_right_logical3A_86 : vector<16xi32>
      %swap3A_88 = arith.constant 32 : index
      %swap3A_89 = tpu.vector_load %arg5[%swap3A_88] {strides = array<i32>} : memref<128xi32, #tpu.memory_space<vmem>>, vector<16xi32>,
      %swap3A_90 = vector.shape_cast %swap3A_89 : vector<16xi32> to vector<16xi32>
      %swap3A_91 = vector.shape_cast %shift_right_logical3A_87 : vector<16xi32> to vector<16xi32>
      tpu.vector_store %arg5[%swap3A_88], %swap3A_91 {strides = array<i32>} : memref<128xi32, #tpu.memory_space<vmem>>, vector<16xi32>,
      %get3A_92 = arith.index_cast %scan3A_61 : i32 to index
      %get3A_93 = arith.constant 48 : index
      %get3A_94 = tpu.vector_load %arg4[%get3A_92, %get3A_93] {strides = array<i32>} : memref<80x128xi32, #tpu.memory_space<vmem>>, vector<1x16xi32>,
      %get3A_95 = vector.shape_cast %get3A_94 : vector<1x16xi32> to vector<16xi32>
      %shift_right_logical3A_96 = arith.constant 14 : i32
      %shift_right_logical3A_97 = vector.broadcast %shift_right_logical3A_96 : i32 to vector<16xi32>
      %shift_right_logical3A_98 = arith.shrui %get3A_95, %shift_right_logical3A_97 : vector<16xi32>
      %swap3A_99 = arith.constant 48 : index
      %swap3A_100 = tpu.vector_load %arg5[%swap3A_99] {strides = array<i32>} : memref<128xi32, #tpu.memory_space<vmem>>, vector<16xi32>,
      %swap3A_101 = vector.shape_cast %swap3A_100 : vector<16xi32> to vector<16xi32>
      %swap3A_102 = vector.shape_cast %shift_right_logical3A_98 : vector<16xi32> to vector<16xi32>
      tpu.vector_store %arg5[%swap3A_99], %swap3A_102 {strides = array<i32>} : memref<128xi32, #tpu.memory_space<vmem>>, vector<16xi32>,
      %get3A_103 = arith.index_cast %scan3A_61 : i32 to index
      %get3A_104 = arith.constant 64 : index
      %get3A_105 = tpu.vector_load %arg4[%get3A_103, %get3A_104] {strides = array<i32>} : memref<80x128xi32, #tpu.memory_space<vmem>>, vector<1x16xi32>,
      %get3A_106 = vector.shape_cast %get3A_105 : vector<1x16xi32> to vector<16xi32>
      %shift_right_logical3A_107 = arith.constant 14 : i32
      %shift_right_logical3A_108 = vector.broadcast %shift_right_logical3A_107 : i32 to vector<16xi32>
      %shift_right_logical3A_109 = arith.shrui %get3A_106, %shift_right_logical3A_108 : vector<16xi32>
      %swap3A_110 = arith.constant 64 : index
      %swap3A_111 = tpu.vector_load %arg5[%swap3A_110] {strides = array<i32>} : memref<128xi32, #tpu.memory_space<vmem>>, vector<16xi32>,
      %swap3A_112 = vector.shape_cast %swap3A_111 : vector<16xi32> to vector<16xi32>
      %swap3A_113 = vector.shape_cast %shift_right_logical3A_109 : vector<16xi32> to vector<16xi32>
      tpu.vector_store %arg5[%swap3A_110], %swap3A_113 {strides = array<i32>} : memref<128xi32, #tpu.memory_space<vmem>>, vector<16xi32>,
      %get3A_114 = arith.index_cast %scan3A_61 : i32 to index
      %get3A_115 = arith.constant 80 : index
      %get3A_116 = tpu.vector_load %arg4[%get3A_114, %get3A_115] {strides = array<i32>} : memref<80x128xi32, #tpu.memory_space<vmem>>, vector<1x16xi32>,
      %get3A_117 = vector.shape_cast %get3A_116 : vector<1x16xi32> to vector<16xi32>
      %shift_right_logical3A_118 = arith.constant 14 : i32
      %shift_right_logical3A_119 = vector.broadcast %shift_right_logical3A_118 : i32 to vector<16xi32>
      %shift_right_logical3A_120 = arith.shrui %get3A_117, %shift_right_logical3A_119 : vector<16xi32>
      %swap3A_121 = arith.constant 80 : index
      %swap3A_122 = tpu.vector_load %arg5[%swap3A_121] {strides = array<i32>} : memref<128xi32, #tpu.memory_space<vmem>>, vector<16xi32>,
      %swap3A_123 = vector.shape_cast %swap3A_122 : vector<16xi32> to vector<16xi32>
      %swap3A_124 = vector.shape_cast %shift_right_logical3A_120 : vector<16xi32> to vector<16xi32>
      tpu.vector_store %arg5[%swap3A_121], %swap3A_124 {strides = array<i32>} : memref<128xi32, #tpu.memory_space<vmem>>, vector<16xi32>,
      %get3A_125 = arith.index_cast %scan3A_61 : i32 to index
      %get3A_126 = arith.constant 96 : index
      %get3A_127 = tpu.vector_load %arg4[%get3A_125, %get3A_126] {strides = array<i32>} : memref<80x128xi32, #tpu.memory_space<vmem>>, vector<1x16xi32>,
      %get3A_128 = vector.shape_cast %get3A_127 : vector<1x16xi32> to vector<16xi32>
      %shift_right_logical3A_129 = arith.constant 14 : i32
      %shift_right_logical3A_130 = vector.broadcast %shift_right_logical3A_129 : i32 to vector<16xi32>
      %shift_right_logical3A_131 = arith.shrui %get3A_128, %shift_right_logical3A_130 : vector<16xi32>
      %swap3A_132 = arith.constant 96 : index
      %swap3A_133 = tpu.vector_load %arg5[%swap3A_132] {strides = array<i32>} : memref<128xi32, #tpu.memory_space<vmem>>, vector<16xi32>,
      %swap3A_134 = vector.shape_cast %swap3A_133 : vector<16xi32> to vector<16xi32>
      %swap3A_135 = vector.shape_cast %shift_right_logical3A_131 : vector<16xi32> to vector<16xi32>
      tpu.vector_store %arg5[%swap3A_132], %swap3A_135 {strides = array<i32>} : memref<128xi32, #tpu.memory_space<vmem>>, vector<16xi32>,
      %get3A_136 = arith.index_cast %scan3A_61 : i32 to index
      %get3A_137 = arith.constant 112 : index
      %get3A_138 = tpu.vector_load %arg4[%get3A_136, %get3A_137] {strides = array<i32>} : memref<80x128xi32, #tpu.memory_space<vmem>>, vector<1x16xi32>,
      %get3A_139 = vector.shape_cast %get3A_138 : vector<1x16xi32> to vector<16xi32>
      %shift_right_logical3A_140 = arith.constant 14 : i32
      %shift_right_logical3A_141 = vector.broadcast %shift_right_logical3A_140 : i32 to vector<16xi32>
      %shift_right_logical3A_142 = arith.shrui %get3A_139, %shift_right_logical3A_141 : vector<16xi32>
      %swap3A_143 = arith.constant 112 : index
      %swap3A_144 = tpu.vector_load %arg5[%swap3A_143] {strides = array<i32>} : memref<128xi32, #tpu.memory_space<vmem>>, vector<16xi32>,
      %swap3A_145 = vector.shape_cast %swap3A_144 : vector<16xi32> to vector<16xi32>
      %swap3A_146 = vector.shape_cast %shift_right_logical3A_142 : vector<16xi32> to vector<16xi32>
      tpu.vector_store %arg5[%swap3A_143], %swap3A_146 {strides = array<i32>} : memref<128xi32, #tpu.memory_space<vmem>>, vector<16xi32>,
      "tpu.region"() ({
        %run_scoped3A = tpu.sem_alloc : memref<!tpu.dma_semaphore, #tpu.memory_space<semaphore_mem>>
        %dma_start3A = arith.constant 0 : i32
        %dma_start3A_147 = arith.constant 0 : i32
        %dma_start3A_148 = tpu.memref_slice %arg8[%dma_start3A, %dma_start3A_147] : memref<10112x16xf32, #tpu.memory_space<vmem_shared>> -> memref<10112x16xf32, #tpu.memory_space<vmem_shared>>
        tpu.enqueue_indirect_dma source(%arg6 : memref<128x16xf32, #tpu.memory_space<vmem>>) target(%dma_start3A_148 : memref<10112x16xf32, #tpu.memory_space<vmem_shared>>) offsets(%arg5 : memref<128xi32, #tpu.memory_space<vmem>>) semaphore(%run_scoped3A : memref<!tpu.dma_semaphore, #tpu.memory_space<semaphore_mem>>) {add = true}
        %dma_wait3A = arith.constant 0 : i32
        %dma_wait3A_149 = arith.constant 0 : i32
        %dma_wait3A_150 = tpu.memref_slice %arg8[%dma_wait3A, %dma_wait3A_149] : memref<10112x16xf32, #tpu.memory_space<vmem_shared>> -> memref<10112x16xf32, #tpu.memory_space<vmem_shared>>
        tpu.wait_indirect_dma semaphore(%run_scoped3A : memref<!tpu.dma_semaphore, #tpu.memory_space<semaphore_mem>>) src(%arg6 : memref<128x16xf32, #tpu.memory_space<vmem>>) dst(%dma_wait3A_150 : memref<10112x16xf32, #tpu.memory_space<vmem_shared>>)
        tpu.yield
      }) : () -> ()
    }
    %scan3A_55 = arith.constant 80 : i32
    %barrier3A_56 = arith.constant 0 : index
    tpu.barrier barrier_id(%barrier3A_56)
    %mul3A_57 = arith.constant 632 : i32
    %mul3A_58 = arith.muli %arg1, %mul3A_57 : i32
    %mul3A_59 = arith.constant 632 : i32
    %mul3A_60 = arith.muli %arg1, %mul3A_59 : i32
    "tpu.region"() ({
      %run_scoped3A = tpu.sem_alloc : memref<!tpu.dma_semaphore, #tpu.memory_space<semaphore_mem>>
      %dma_start3A = arith.constant 0 : i32
      %dma_start3A_61 = tpu.memref_slice %arg3[%arg0, %mul3A_60, %dma_start3A] : memref<2x10112x16xf32, #tpu.memory_space<hbm>> -> memref<1x632x16xf32, #tpu.memory_space<hbm>>
      %dma_start3A_62 = tpu.memref_squeeze %dma_start3A_61 : memref<1x632x16xf32, #tpu.memory_space<hbm>> -> memref<632x16xf32, #tpu.memory_space<hbm>>
      %dma_start3A_63 = arith.constant 0 : i32
      %dma_start3A_64 = tpu.memref_slice %arg8[%mul3A_58, %dma_start3A_63] : memref<10112x16xf32, #tpu.memory_space<vmem_shared>> -> memref<632x16xf32, #tpu.memory_space<vmem_shared>>
      tpu.enqueue_dma source(%dma_start3A_64 : memref<632x16xf32, #tpu.memory_space<vmem_shared>>) target(%dma_start3A_62 : memref<632x16xf32, #tpu.memory_space<hbm>>) target_semaphore(%run_scoped3A : memref<!tpu.dma_semaphore, #tpu.memory_space<semaphore_mem>>)
      %dma_wait3A = arith.constant 0 : i32
      %dma_wait3A_65 = tpu.memref_slice %arg3[%arg0, %mul3A_60, %dma_wait3A] : memref<2x10112x16xf32, #tpu.memory_space<hbm>> -> memref<1x632x16xf32, #tpu.memory_space<hbm>>
      %dma_wait3A_66 = tpu.memref_squeeze %dma_wait3A_65 : memref<1x632x16xf32, #tpu.memory_space<hbm>> -> memref<632x16xf32, #tpu.memory_space<hbm>>
      %dma_wait3A_67 = arith.constant 0 : i32
      %dma_wait3A_68 = tpu.memref_slice %arg8[%mul3A_58, %dma_wait3A_67] : memref<10112x16xf32, #tpu.memory_space<vmem_shared>> -> memref<632x16xf32, #tpu.memory_space<vmem_shared>>
      tpu.wait_dma2 semaphore(%run_scoped3A : memref<!tpu.dma_semaphore, #tpu.memory_space<semaphore_mem>>) src(%dma_wait3A_68 : memref<632x16xf32, #tpu.memory_space<vmem_shared>>) dst(%dma_wait3A_66 : memref<632x16xf32, #tpu.memory_space<hbm>>)
      tpu.yield
    }) : () -> ()
    return
  }
}

#map = affine_map<(d0, d1) -> (0, 0)>
#map1 = affine_map<(d0, d1) -> (0, 0, 0)>
module attributes {stable_mosaic.version = 14 : i64} {
  func.func @_sc_aggregate(%arg0: i32, %arg1: i32, %arg2: memref<10112x128xf32, #tpu.memory_space<hbm>>, %arg3: memref<32x80x128xi32, #tpu.memory_space<hbm>>, %arg4: memref<2x10112x128xf32, #tpu.memory_space<hbm>>, %arg5: memref<80x128xi32, #tpu.memory_space<vmem>>, %arg6: memref<128xi32, #tpu.memory_space<vmem>>, %arg7: memref<128xi32, #tpu.memory_space<vmem>>, %arg8: memref<128x128xf32, #tpu.memory_space<vmem>>, %arg9: memref<128xi32, #tpu.memory_space<vmem>>, %arg10: memref<128xi32, #tpu.memory_space<vmem>>, %arg11: memref<128x128xf32, #tpu.memory_space<vmem>>, %arg12: memref<!tpu.dma_semaphore, #tpu.memory_space<semaphore_mem>>, %arg13: memref<!tpu.dma_semaphore, #tpu.memory_space<semaphore_mem>>, %arg14: memref<10112x128xf32, #tpu.memory_space<vmem_shared>>) attributes {dimension_semantics = [#tpu.dimension_semantics<core_parallel>, #tpu.dimension_semantics<subcore_parallel>], iteration_bounds = array<i64: 2, 16>, scalar_prefetch = 0 : i64, scratch_operands = 10 : i64, tpu.core_type = #tpu.core_type<sc_vector_subcore>, window_params = [{transform_indices = #map}, {transform_indices = #map1}, {transform_indices = #map1}]} {
    %mul3A = arith.constant 16 : i32
    %mul3A_0 = arith.muli %arg0, %mul3A : i32
    %add3A = arith.addi %mul3A_0, %arg1 : i32
    %broadcast_in_dim3A = arith.constant 0.000000e+00 : f32
    %broadcast_in_dim3A_1 = vector.broadcast %broadcast_in_dim3A : f32 to vector<16xf32>
    %scan3A = arith.constant 0 : i32
    %scan3A_2 = arith.constant 0 : i32
    %scan3A_3 = arith.constant 128 : i32
    %scan3A_4 = arith.addi %scan3A_2, %scan3A_3 : i32
    %scan3A_5 = arith.constant 1 : i32
    scf.for %scan3A_188 = %scan3A_2 to %scan3A_4 step %scan3A_5  : i32 {
      %swap3A_189 = arith.index_cast %scan3A_188 : i32 to index
      %swap3A_190 = arith.constant 0 : index
      %swap3A_191 = tpu.vector_load %arg8[%swap3A_189, %swap3A_190] {strides = array<i32>} : memref<128x128xf32, #tpu.memory_space<vmem>>, vector<1x16xf32>,
      %swap3A_192 = vector.shape_cast %swap3A_191 : vector<1x16xf32> to vector<16xf32>
      %swap3A_193 = vector.shape_cast %broadcast_in_dim3A_1 : vector<16xf32> to vector<1x16xf32>
      tpu.vector_store %arg8[%swap3A_189, %swap3A_190], %swap3A_193 {strides = array<i32>} : memref<128x128xf32, #tpu.memory_space<vmem>>, vector<1x16xf32>,
      %swap3A_194 = arith.index_cast %scan3A_188 : i32 to index
      %swap3A_195 = arith.constant 16 : index
      %swap3A_196 = tpu.vector_load %arg8[%swap3A_194, %swap3A_195] {strides = array<i32>} : memref<128x128xf32, #tpu.memory_space<vmem>>, vector<1x16xf32>,
      %swap3A_197 = vector.shape_cast %swap3A_196 : vector<1x16xf32> to vector<16xf32>
      %swap3A_198 = vector.shape_cast %broadcast_in_dim3A_1 : vector<16xf32> to vector<1x16xf32>
      tpu.vector_store %arg8[%swap3A_194, %swap3A_195], %swap3A_198 {strides = array<i32>} : memref<128x128xf32, #tpu.memory_space<vmem>>, vector<1x16xf32>,
      %swap3A_199 = arith.index_cast %scan3A_188 : i32 to index
      %swap3A_200 = arith.constant 32 : index
      %swap3A_201 = tpu.vector_load %arg8[%swap3A_199, %swap3A_200] {strides = array<i32>} : memref<128x128xf32, #tpu.memory_space<vmem>>, vector<1x16xf32>,
      %swap3A_202 = vector.shape_cast %swap3A_201 : vector<1x16xf32> to vector<16xf32>
      %swap3A_203 = vector.shape_cast %broadcast_in_dim3A_1 : vector<16xf32> to vector<1x16xf32>
      tpu.vector_store %arg8[%swap3A_199, %swap3A_200], %swap3A_203 {strides = array<i32>} : memref<128x128xf32, #tpu.memory_space<vmem>>, vector<1x16xf32>,
      %swap3A_204 = arith.index_cast %scan3A_188 : i32 to index
      %swap3A_205 = arith.constant 48 : index
      %swap3A_206 = tpu.vector_load %arg8[%swap3A_204, %swap3A_205] {strides = array<i32>} : memref<128x128xf32, #tpu.memory_space<vmem>>, vector<1x16xf32>,
      %swap3A_207 = vector.shape_cast %swap3A_206 : vector<1x16xf32> to vector<16xf32>
      %swap3A_208 = vector.shape_cast %broadcast_in_dim3A_1 : vector<16xf32> to vector<1x16xf32>
      tpu.vector_store %arg8[%swap3A_204, %swap3A_205], %swap3A_208 {strides = array<i32>} : memref<128x128xf32, #tpu.memory_space<vmem>>, vector<1x16xf32>,
      %swap3A_209 = arith.index_cast %scan3A_188 : i32 to index
      %swap3A_210 = arith.constant 64 : index
      %swap3A_211 = tpu.vector_load %arg8[%swap3A_209, %swap3A_210] {strides = array<i32>} : memref<128x128xf32, #tpu.memory_space<vmem>>, vector<1x16xf32>,
      %swap3A_212 = vector.shape_cast %swap3A_211 : vector<1x16xf32> to vector<16xf32>
      %swap3A_213 = vector.shape_cast %broadcast_in_dim3A_1 : vector<16xf32> to vector<1x16xf32>
      tpu.vector_store %arg8[%swap3A_209, %swap3A_210], %swap3A_213 {strides = array<i32>} : memref<128x128xf32, #tpu.memory_space<vmem>>, vector<1x16xf32>,
      %swap3A_214 = arith.index_cast %scan3A_188 : i32 to index
      %swap3A_215 = arith.constant 80 : index
      %swap3A_216 = tpu.vector_load %arg8[%swap3A_214, %swap3A_215] {strides = array<i32>} : memref<128x128xf32, #tpu.memory_space<vmem>>, vector<1x16xf32>,
      %swap3A_217 = vector.shape_cast %swap3A_216 : vector<1x16xf32> to vector<16xf32>
      %swap3A_218 = vector.shape_cast %broadcast_in_dim3A_1 : vector<16xf32> to vector<1x16xf32>
      tpu.vector_store %arg8[%swap3A_214, %swap3A_215], %swap3A_218 {strides = array<i32>} : memref<128x128xf32, #tpu.memory_space<vmem>>, vector<1x16xf32>,
      %swap3A_219 = arith.index_cast %scan3A_188 : i32 to index
      %swap3A_220 = arith.constant 96 : index
      %swap3A_221 = tpu.vector_load %arg8[%swap3A_219, %swap3A_220] {strides = array<i32>} : memref<128x128xf32, #tpu.memory_space<vmem>>, vector<1x16xf32>,
      %swap3A_222 = vector.shape_cast %swap3A_221 : vector<1x16xf32> to vector<16xf32>
      %swap3A_223 = vector.shape_cast %broadcast_in_dim3A_1 : vector<16xf32> to vector<1x16xf32>
      tpu.vector_store %arg8[%swap3A_219, %swap3A_220], %swap3A_223 {strides = array<i32>} : memref<128x128xf32, #tpu.memory_space<vmem>>, vector<1x16xf32>,
      %swap3A_224 = arith.index_cast %scan3A_188 : i32 to index
      %swap3A_225 = arith.constant 112 : index
      %swap3A_226 = tpu.vector_load %arg8[%swap3A_224, %swap3A_225] {strides = array<i32>} : memref<128x128xf32, #tpu.memory_space<vmem>>, vector<1x16xf32>,
      %swap3A_227 = vector.shape_cast %swap3A_226 : vector<1x16xf32> to vector<16xf32>
      %swap3A_228 = vector.shape_cast %broadcast_in_dim3A_1 : vector<16xf32> to vector<1x16xf32>
      tpu.vector_store %arg8[%swap3A_224, %swap3A_225], %swap3A_228 {strides = array<i32>} : memref<128x128xf32, #tpu.memory_space<vmem>>, vector<1x16xf32>,
    }
    %scan3A_6 = arith.constant 128 : i32
    %mul3A_7 = arith.constant 632 : i32
    %mul3A_8 = arith.muli %arg1, %mul3A_7 : i32
    %add3A_9 = arith.constant 0 : i32
    %add3A_10 = arith.addi %mul3A_8, %add3A_9 : i32
    "tpu.region"() ({
      %run_scoped3A = tpu.sem_alloc : memref<!tpu.dma_semaphore, #tpu.memory_space<semaphore_mem>>
      %dma_start3A_188 = arith.constant 0 : i32
      %dma_start3A_189 = tpu.memref_slice %arg14[%add3A_10, %dma_start3A_188] : memref<10112x128xf32, #tpu.memory_space<vmem_shared>> -> memref<128x128xf32, #tpu.memory_space<vmem_shared>>
      %dma_start3A_190 = arith.constant 0 : i32
      %dma_start3A_191 = tpu.memref_slice %arg14[%add3A_10, %dma_start3A_190] : memref<10112x128xf32, #tpu.memory_space<vmem_shared>> -> memref<128x128xf32, #tpu.memory_space<vmem_shared>>
      tpu.enqueue_dma source(%arg8 : memref<128x128xf32, #tpu.memory_space<vmem>>) target(%dma_start3A_191 : memref<128x128xf32, #tpu.memory_space<vmem_shared>>) target_semaphore(%run_scoped3A : memref<!tpu.dma_semaphore, #tpu.memory_space<semaphore_mem>>)
      %dma_wait3A = arith.constant 0 : i32
      %dma_wait3A_192 = tpu.memref_slice %arg14[%add3A_10, %dma_wait3A] : memref<10112x128xf32, #tpu.memory_space<vmem_shared>> -> memref<128x128xf32, #tpu.memory_space<vmem_shared>>
      %dma_wait3A_193 = arith.constant 0 : i32
      %dma_wait3A_194 = tpu.memref_slice %arg14[%add3A_10, %dma_wait3A_193] : memref<10112x128xf32, #tpu.memory_space<vmem_shared>> -> memref<128x128xf32, #tpu.memory_space<vmem_shared>>
      tpu.wait_dma2 semaphore(%run_scoped3A : memref<!tpu.dma_semaphore, #tpu.memory_space<semaphore_mem>>) src(%arg8 : memref<128x128xf32, #tpu.memory_space<vmem>>) dst(%dma_wait3A_194 : memref<128x128xf32, #tpu.memory_space<vmem_shared>>)
      tpu.yield
    }) : () -> ()
    %mul3A_11 = arith.constant 632 : i32
    %mul3A_12 = arith.muli %arg1, %mul3A_11 : i32
    %add3A_13 = arith.constant 128 : i32
    %add3A_14 = arith.addi %mul3A_12, %add3A_13 : i32
    "tpu.region"() ({
      %run_scoped3A = tpu.sem_alloc : memref<!tpu.dma_semaphore, #tpu.memory_space<semaphore_mem>>
      %dma_start3A_188 = arith.constant 0 : i32
      %dma_start3A_189 = tpu.memref_slice %arg14[%add3A_14, %dma_start3A_188] : memref<10112x128xf32, #tpu.memory_space<vmem_shared>> -> memref<128x128xf32, #tpu.memory_space<vmem_shared>>
      %dma_start3A_190 = arith.constant 0 : i32
      %dma_start3A_191 = tpu.memref_slice %arg14[%add3A_14, %dma_start3A_190] : memref<10112x128xf32, #tpu.memory_space<vmem_shared>> -> memref<128x128xf32, #tpu.memory_space<vmem_shared>>
      tpu.enqueue_dma source(%arg8 : memref<128x128xf32, #tpu.memory_space<vmem>>) target(%dma_start3A_191 : memref<128x128xf32, #tpu.memory_space<vmem_shared>>) target_semaphore(%run_scoped3A : memref<!tpu.dma_semaphore, #tpu.memory_space<semaphore_mem>>)
      %dma_wait3A = arith.constant 0 : i32
      %dma_wait3A_192 = tpu.memref_slice %arg14[%add3A_14, %dma_wait3A] : memref<10112x128xf32, #tpu.memory_space<vmem_shared>> -> memref<128x128xf32, #tpu.memory_space<vmem_shared>>
      %dma_wait3A_193 = arith.constant 0 : i32
      %dma_wait3A_194 = tpu.memref_slice %arg14[%add3A_14, %dma_wait3A_193] : memref<10112x128xf32, #tpu.memory_space<vmem_shared>> -> memref<128x128xf32, #tpu.memory_space<vmem_shared>>
      tpu.wait_dma2 semaphore(%run_scoped3A : memref<!tpu.dma_semaphore, #tpu.memory_space<semaphore_mem>>) src(%arg8 : memref<128x128xf32, #tpu.memory_space<vmem>>) dst(%dma_wait3A_194 : memref<128x128xf32, #tpu.memory_space<vmem_shared>>)
      tpu.yield
    }) : () -> ()
    %mul3A_15 = arith.constant 632 : i32
    %mul3A_16 = arith.muli %arg1, %mul3A_15 : i32
    %add3A_17 = arith.constant 256 : i32
    %add3A_18 = arith.addi %mul3A_16, %add3A_17 : i32
    "tpu.region"() ({
      %run_scoped3A = tpu.sem_alloc : memref<!tpu.dma_semaphore, #tpu.memory_space<semaphore_mem>>
      %dma_start3A_188 = arith.constant 0 : i32
      %dma_start3A_189 = tpu.memref_slice %arg14[%add3A_18, %dma_start3A_188] : memref<10112x128xf32, #tpu.memory_space<vmem_shared>> -> memref<128x128xf32, #tpu.memory_space<vmem_shared>>
      %dma_start3A_190 = arith.constant 0 : i32
      %dma_start3A_191 = tpu.memref_slice %arg14[%add3A_18, %dma_start3A_190] : memref<10112x128xf32, #tpu.memory_space<vmem_shared>> -> memref<128x128xf32, #tpu.memory_space<vmem_shared>>
      tpu.enqueue_dma source(%arg8 : memref<128x128xf32, #tpu.memory_space<vmem>>) target(%dma_start3A_191 : memref<128x128xf32, #tpu.memory_space<vmem_shared>>) target_semaphore(%run_scoped3A : memref<!tpu.dma_semaphore, #tpu.memory_space<semaphore_mem>>)
      %dma_wait3A = arith.constant 0 : i32
      %dma_wait3A_192 = tpu.memref_slice %arg14[%add3A_18, %dma_wait3A] : memref<10112x128xf32, #tpu.memory_space<vmem_shared>> -> memref<128x128xf32, #tpu.memory_space<vmem_shared>>
      %dma_wait3A_193 = arith.constant 0 : i32
      %dma_wait3A_194 = tpu.memref_slice %arg14[%add3A_18, %dma_wait3A_193] : memref<10112x128xf32, #tpu.memory_space<vmem_shared>> -> memref<128x128xf32, #tpu.memory_space<vmem_shared>>
      tpu.wait_dma2 semaphore(%run_scoped3A : memref<!tpu.dma_semaphore, #tpu.memory_space<semaphore_mem>>) src(%arg8 : memref<128x128xf32, #tpu.memory_space<vmem>>) dst(%dma_wait3A_194 : memref<128x128xf32, #tpu.memory_space<vmem_shared>>)
      tpu.yield
    }) : () -> ()
    %mul3A_19 = arith.constant 632 : i32
    %mul3A_20 = arith.muli %arg1, %mul3A_19 : i32
    %add3A_21 = arith.constant 384 : i32
    %add3A_22 = arith.addi %mul3A_20, %add3A_21 : i32
    "tpu.region"() ({
      %run_scoped3A = tpu.sem_alloc : memref<!tpu.dma_semaphore, #tpu.memory_space<semaphore_mem>>
      %dma_start3A_188 = arith.constant 0 : i32
      %dma_start3A_189 = tpu.memref_slice %arg14[%add3A_22, %dma_start3A_188] : memref<10112x128xf32, #tpu.memory_space<vmem_shared>> -> memref<128x128xf32, #tpu.memory_space<vmem_shared>>
      %dma_start3A_190 = arith.constant 0 : i32
      %dma_start3A_191 = tpu.memref_slice %arg14[%add3A_22, %dma_start3A_190] : memref<10112x128xf32, #tpu.memory_space<vmem_shared>> -> memref<128x128xf32, #tpu.memory_space<vmem_shared>>
      tpu.enqueue_dma source(%arg8 : memref<128x128xf32, #tpu.memory_space<vmem>>) target(%dma_start3A_191 : memref<128x128xf32, #tpu.memory_space<vmem_shared>>) target_semaphore(%run_scoped3A : memref<!tpu.dma_semaphore, #tpu.memory_space<semaphore_mem>>)
      %dma_wait3A = arith.constant 0 : i32
      %dma_wait3A_192 = tpu.memref_slice %arg14[%add3A_22, %dma_wait3A] : memref<10112x128xf32, #tpu.memory_space<vmem_shared>> -> memref<128x128xf32, #tpu.memory_space<vmem_shared>>
      %dma_wait3A_193 = arith.constant 0 : i32
      %dma_wait3A_194 = tpu.memref_slice %arg14[%add3A_22, %dma_wait3A_193] : memref<10112x128xf32, #tpu.memory_space<vmem_shared>> -> memref<128x128xf32, #tpu.memory_space<vmem_shared>>
      tpu.wait_dma2 semaphore(%run_scoped3A : memref<!tpu.dma_semaphore, #tpu.memory_space<semaphore_mem>>) src(%arg8 : memref<128x128xf32, #tpu.memory_space<vmem>>) dst(%dma_wait3A_194 : memref<128x128xf32, #tpu.memory_space<vmem_shared>>)
      tpu.yield
    }) : () -> ()
    %mul3A_23 = arith.constant 632 : i32
    %mul3A_24 = arith.muli %arg1, %mul3A_23 : i32
    %add3A_25 = arith.constant 512 : i32
    %add3A_26 = arith.addi %mul3A_24, %add3A_25 : i32
    "tpu.region"() ({
      %run_scoped3A = tpu.sem_alloc : memref<!tpu.dma_semaphore, #tpu.memory_space<semaphore_mem>>
      %dma_start3A_188 = arith.constant 0 : i32
      %dma_start3A_189 = arith.constant 0 : i32
      %dma_start3A_190 = tpu.memref_slice %arg8[%dma_start3A_188, %dma_start3A_189] : memref<128x128xf32, #tpu.memory_space<vmem>> -> memref<120x128xf32, #tpu.memory_space<vmem>>
      %dma_start3A_191 = arith.constant 0 : i32
      %dma_start3A_192 = tpu.memref_slice %arg14[%add3A_26, %dma_start3A_191] : memref<10112x128xf32, #tpu.memory_space<vmem_shared>> -> memref<120x128xf32, #tpu.memory_space<vmem_shared>>
      %dma_start3A_193 = arith.constant 0 : i32
      %dma_start3A_194 = tpu.memref_slice %arg14[%add3A_26, %dma_start3A_193] : memref<10112x128xf32, #tpu.memory_space<vmem_shared>> -> memref<120x128xf32, #tpu.memory_space<vmem_shared>>
      %dma_start3A_195 = arith.constant 0 : i32
      %dma_start3A_196 = arith.constant 0 : i32
      %dma_start3A_197 = tpu.memref_slice %arg8[%dma_start3A_195, %dma_start3A_196] : memref<128x128xf32, #tpu.memory_space<vmem>> -> memref<120x128xf32, #tpu.memory_space<vmem>>
      tpu.enqueue_dma source(%dma_start3A_197 : memref<120x128xf32, #tpu.memory_space<vmem>>) target(%dma_start3A_194 : memref<120x128xf32, #tpu.memory_space<vmem_shared>>) target_semaphore(%run_scoped3A : memref<!tpu.dma_semaphore, #tpu.memory_space<semaphore_mem>>)
      %dma_wait3A = arith.constant 0 : i32
      %dma_wait3A_198 = arith.constant 0 : i32
      %dma_wait3A_199 = tpu.memref_slice %arg8[%dma_wait3A, %dma_wait3A_198] : memref<128x128xf32, #tpu.memory_space<vmem>> -> memref<120x128xf32, #tpu.memory_space<vmem>>
      %dma_wait3A_200 = arith.constant 0 : i32
      %dma_wait3A_201 = tpu.memref_slice %arg14[%add3A_26, %dma_wait3A_200] : memref<10112x128xf32, #tpu.memory_space<vmem_shared>> -> memref<120x128xf32, #tpu.memory_space<vmem_shared>>
      %dma_wait3A_202 = arith.constant 0 : i32
      %dma_wait3A_203 = tpu.memref_slice %arg14[%add3A_26, %dma_wait3A_202] : memref<10112x128xf32, #tpu.memory_space<vmem_shared>> -> memref<120x128xf32, #tpu.memory_space<vmem_shared>>
      %dma_wait3A_204 = arith.constant 0 : i32
      %dma_wait3A_205 = arith.constant 0 : i32
      %dma_wait3A_206 = tpu.memref_slice %arg8[%dma_wait3A_204, %dma_wait3A_205] : memref<128x128xf32, #tpu.memory_space<vmem>> -> memref<120x128xf32, #tpu.memory_space<vmem>>
      tpu.wait_dma2 semaphore(%run_scoped3A : memref<!tpu.dma_semaphore, #tpu.memory_space<semaphore_mem>>) src(%dma_wait3A_206 : memref<120x128xf32, #tpu.memory_space<vmem>>) dst(%dma_wait3A_203 : memref<120x128xf32, #tpu.memory_space<vmem_shared>>)
      tpu.yield
    }) : () -> ()
    "tpu.region"() ({
      %run_scoped3A = tpu.sem_alloc : memref<!tpu.dma_semaphore, #tpu.memory_space<semaphore_mem>>
      %dma_start3A_188 = arith.constant 0 : i32
      %dma_start3A_189 = arith.constant 0 : i32
      %dma_start3A_190 = tpu.memref_slice %arg3[%add3A, %dma_start3A_188, %dma_start3A_189] : memref<32x80x128xi32, #tpu.memory_space<hbm>> -> memref<1x80x128xi32, #tpu.memory_space<hbm>>
      %dma_start3A_191 = tpu.memref_squeeze %dma_start3A_190 : memref<1x80x128xi32, #tpu.memory_space<hbm>> -> memref<80x128xi32, #tpu.memory_space<hbm>>
      %dma_start3A_192 = arith.constant 0 : i32
      %dma_start3A_193 = arith.constant 0 : i32
      %dma_start3A_194 = tpu.memref_slice %arg3[%add3A, %dma_start3A_192, %dma_start3A_193] : memref<32x80x128xi32, #tpu.memory_space<hbm>> -> memref<1x80x128xi32, #tpu.memory_space<hbm>>
      %dma_start3A_195 = tpu.memref_squeeze %dma_start3A_194 : memref<1x80x128xi32, #tpu.memory_space<hbm>> -> memref<80x128xi32, #tpu.memory_space<hbm>>
      tpu.enqueue_dma source(%dma_start3A_195 : memref<80x128xi32, #tpu.memory_space<hbm>>) target(%arg5 : memref<80x128xi32, #tpu.memory_space<vmem>>) target_semaphore(%run_scoped3A : memref<!tpu.dma_semaphore, #tpu.memory_space<semaphore_mem>>)
      %dma_wait3A = arith.constant 0 : i32
      %dma_wait3A_196 = arith.constant 0 : i32
      %dma_wait3A_197 = tpu.memref_slice %arg3[%add3A, %dma_wait3A, %dma_wait3A_196] : memref<32x80x128xi32, #tpu.memory_space<hbm>> -> memref<1x80x128xi32, #tpu.memory_space<hbm>>
      %dma_wait3A_198 = tpu.memref_squeeze %dma_wait3A_197 : memref<1x80x128xi32, #tpu.memory_space<hbm>> -> memref<80x128xi32, #tpu.memory_space<hbm>>
      %dma_wait3A_199 = arith.constant 0 : i32
      %dma_wait3A_200 = arith.constant 0 : i32
      %dma_wait3A_201 = tpu.memref_slice %arg3[%add3A, %dma_wait3A_199, %dma_wait3A_200] : memref<32x80x128xi32, #tpu.memory_space<hbm>> -> memref<1x80x128xi32, #tpu.memory_space<hbm>>
      %dma_wait3A_202 = tpu.memref_squeeze %dma_wait3A_201 : memref<1x80x128xi32, #tpu.memory_space<hbm>> -> memref<80x128xi32, #tpu.memory_space<hbm>>
      tpu.wait_dma2 semaphore(%run_scoped3A : memref<!tpu.dma_semaphore, #tpu.memory_space<semaphore_mem>>) src(%dma_wait3A_202 : memref<80x128xi32, #tpu.memory_space<hbm>>) dst(%arg5 : memref<80x128xi32, #tpu.memory_space<vmem>>)
      tpu.yield
    }) : () -> ()
    %barrier3A = arith.constant 0 : index
    tpu.barrier barrier_id(%barrier3A)
    %get3A = arith.constant 0 : i32
    %get3A_27 = arith.index_cast %get3A : i32 to index
    %get3A_28 = arith.constant 0 : index
    %get3A_29 = tpu.vector_load %arg5[%get3A_27, %get3A_28] {strides = array<i32>} : memref<80x128xi32, #tpu.memory_space<vmem>>, vector<1x16xi32>,
    %get3A_30 = vector.shape_cast %get3A_29 : vector<1x16xi32> to vector<16xi32>
    %and3A = arith.constant 16383 : i32
    %and3A_31 = vector.broadcast %and3A : i32 to vector<16xi32>
    %and3A_32 = arith.andi %get3A_30, %and3A_31 : vector<16xi32>
    %swap3A = arith.constant 0 : index
    %swap3A_33 = tpu.vector_load %arg6[%swap3A] {strides = array<i32>} : memref<128xi32, #tpu.memory_space<vmem>>, vector<16xi32>,
    %swap3A_34 = vector.shape_cast %swap3A_33 : vector<16xi32> to vector<16xi32>
    %swap3A_35 = vector.shape_cast %and3A_32 : vector<16xi32> to vector<16xi32>
    tpu.vector_store %arg6[%swap3A], %swap3A_35 {strides = array<i32>} : memref<128xi32, #tpu.memory_space<vmem>>, vector<16xi32>,
    %shift_right_logical3A = arith.constant 14 : i32
    %shift_right_logical3A_36 = vector.broadcast %shift_right_logical3A : i32 to vector<16xi32>
    %shift_right_logical3A_37 = arith.shrui %get3A_30, %shift_right_logical3A_36 : vector<16xi32>
    %swap3A_38 = arith.constant 0 : index
    %swap3A_39 = tpu.vector_load %arg7[%swap3A_38] {strides = array<i32>} : memref<128xi32, #tpu.memory_space<vmem>>, vector<16xi32>,
    %swap3A_40 = vector.shape_cast %swap3A_39 : vector<16xi32> to vector<16xi32>
    %swap3A_41 = vector.shape_cast %shift_right_logical3A_37 : vector<16xi32> to vector<16xi32>
    tpu.vector_store %arg7[%swap3A_38], %swap3A_41 {strides = array<i32>} : memref<128xi32, #tpu.memory_space<vmem>>, vector<16xi32>,
    %get3A_42 = arith.constant 0 : i32
    %get3A_43 = arith.index_cast %get3A_42 : i32 to index
    %get3A_44 = arith.constant 16 : index
    %get3A_45 = tpu.vector_load %arg5[%get3A_43, %get3A_44] {strides = array<i32>} : memref<80x128xi32, #tpu.memory_space<vmem>>, vector<1x16xi32>,
    %get3A_46 = vector.shape_cast %get3A_45 : vector<1x16xi32> to vector<16xi32>
    %and3A_47 = arith.constant 16383 : i32
    %and3A_48 = vector.broadcast %and3A_47 : i32 to vector<16xi32>
    %and3A_49 = arith.andi %get3A_46, %and3A_48 : vector<16xi32>
    %swap3A_50 = arith.constant 16 : index
    %swap3A_51 = tpu.vector_load %arg6[%swap3A_50] {strides = array<i32>} : memref<128xi32, #tpu.memory_space<vmem>>, vector<16xi32>,
    %swap3A_52 = vector.shape_cast %swap3A_51 : vector<16xi32> to vector<16xi32>
    %swap3A_53 = vector.shape_cast %and3A_49 : vector<16xi32> to vector<16xi32>
    tpu.vector_store %arg6[%swap3A_50], %swap3A_53 {strides = array<i32>} : memref<128xi32, #tpu.memory_space<vmem>>, vector<16xi32>,
    %shift_right_logical3A_54 = arith.constant 14 : i32
    %shift_right_logical3A_55 = vector.broadcast %shift_right_logical3A_54 : i32 to vector<16xi32>
    %shift_right_logical3A_56 = arith.shrui %get3A_46, %shift_right_logical3A_55 : vector<16xi32>
    %swap3A_57 = arith.constant 16 : index
    %swap3A_58 = tpu.vector_load %arg7[%swap3A_57] {strides = array<i32>} : memref<128xi32, #tpu.memory_space<vmem>>, vector<16xi32>,
    %swap3A_59 = vector.shape_cast %swap3A_58 : vector<16xi32> to vector<16xi32>
    %swap3A_60 = vector.shape_cast %shift_right_logical3A_56 : vector<16xi32> to vector<16xi32>
    tpu.vector_store %arg7[%swap3A_57], %swap3A_60 {strides = array<i32>} : memref<128xi32, #tpu.memory_space<vmem>>, vector<16xi32>,
    %get3A_61 = arith.constant 0 : i32
    %get3A_62 = arith.index_cast %get3A_61 : i32 to index
    %get3A_63 = arith.constant 32 : index
    %get3A_64 = tpu.vector_load %arg5[%get3A_62, %get3A_63] {strides = array<i32>} : memref<80x128xi32, #tpu.memory_space<vmem>>, vector<1x16xi32>,
    %get3A_65 = vector.shape_cast %get3A_64 : vector<1x16xi32> to vector<16xi32>
    %and3A_66 = arith.constant 16383 : i32
    %and3A_67 = vector.broadcast %and3A_66 : i32 to vector<16xi32>
    %and3A_68 = arith.andi %get3A_65, %and3A_67 : vector<16xi32>
    %swap3A_69 = arith.constant 32 : index
    %swap3A_70 = tpu.vector_load %arg6[%swap3A_69] {strides = array<i32>} : memref<128xi32, #tpu.memory_space<vmem>>, vector<16xi32>,
    %swap3A_71 = vector.shape_cast %swap3A_70 : vector<16xi32> to vector<16xi32>
    %swap3A_72 = vector.shape_cast %and3A_68 : vector<16xi32> to vector<16xi32>
    tpu.vector_store %arg6[%swap3A_69], %swap3A_72 {strides = array<i32>} : memref<128xi32, #tpu.memory_space<vmem>>, vector<16xi32>,
    %shift_right_logical3A_73 = arith.constant 14 : i32
    %shift_right_logical3A_74 = vector.broadcast %shift_right_logical3A_73 : i32 to vector<16xi32>
    %shift_right_logical3A_75 = arith.shrui %get3A_65, %shift_right_logical3A_74 : vector<16xi32>
    %swap3A_76 = arith.constant 32 : index
    %swap3A_77 = tpu.vector_load %arg7[%swap3A_76] {strides = array<i32>} : memref<128xi32, #tpu.memory_space<vmem>>, vector<16xi32>,
    %swap3A_78 = vector.shape_cast %swap3A_77 : vector<16xi32> to vector<16xi32>
    %swap3A_79 = vector.shape_cast %shift_right_logical3A_75 : vector<16xi32> to vector<16xi32>
    tpu.vector_store %arg7[%swap3A_76], %swap3A_79 {strides = array<i32>} : memref<128xi32, #tpu.memory_space<vmem>>, vector<16xi32>,
    %get3A_80 = arith.constant 0 : i32
    %get3A_81 = arith.index_cast %get3A_80 : i32 to index
    %get3A_82 = arith.constant 48 : index
    %get3A_83 = tpu.vector_load %arg5[%get3A_81, %get3A_82] {strides = array<i32>} : memref<80x128xi32, #tpu.memory_space<vmem>>, vector<1x16xi32>,
    %get3A_84 = vector.shape_cast %get3A_83 : vector<1x16xi32> to vector<16xi32>
    %and3A_85 = arith.constant 16383 : i32
    %and3A_86 = vector.broadcast %and3A_85 : i32 to vector<16xi32>
    %and3A_87 = arith.andi %get3A_84, %and3A_86 : vector<16xi32>
    %swap3A_88 = arith.constant 48 : index
    %swap3A_89 = tpu.vector_load %arg6[%swap3A_88] {strides = array<i32>} : memref<128xi32, #tpu.memory_space<vmem>>, vector<16xi32>,
    %swap3A_90 = vector.shape_cast %swap3A_89 : vector<16xi32> to vector<16xi32>
    %swap3A_91 = vector.shape_cast %and3A_87 : vector<16xi32> to vector<16xi32>
    tpu.vector_store %arg6[%swap3A_88], %swap3A_91 {strides = array<i32>} : memref<128xi32, #tpu.memory_space<vmem>>, vector<16xi32>,
    %shift_right_logical3A_92 = arith.constant 14 : i32
    %shift_right_logical3A_93 = vector.broadcast %shift_right_logical3A_92 : i32 to vector<16xi32>
    %shift_right_logical3A_94 = arith.shrui %get3A_84, %shift_right_logical3A_93 : vector<16xi32>
    %swap3A_95 = arith.constant 48 : index
    %swap3A_96 = tpu.vector_load %arg7[%swap3A_95] {strides = array<i32>} : memref<128xi32, #tpu.memory_space<vmem>>, vector<16xi32>,
    %swap3A_97 = vector.shape_cast %swap3A_96 : vector<16xi32> to vector<16xi32>
    %swap3A_98 = vector.shape_cast %shift_right_logical3A_94 : vector<16xi32> to vector<16xi32>
    tpu.vector_store %arg7[%swap3A_95], %swap3A_98 {strides = array<i32>} : memref<128xi32, #tpu.memory_space<vmem>>, vector<16xi32>,
    %get3A_99 = arith.constant 0 : i32
    %get3A_100 = arith.index_cast %get3A_99 : i32 to index
    %get3A_101 = arith.constant 64 : index
    %get3A_102 = tpu.vector_load %arg5[%get3A_100, %get3A_101] {strides = array<i32>} : memref<80x128xi32, #tpu.memory_space<vmem>>, vector<1x16xi32>,
    %get3A_103 = vector.shape_cast %get3A_102 : vector<1x16xi32> to vector<16xi32>
    %and3A_104 = arith.constant 16383 : i32
    %and3A_105 = vector.broadcast %and3A_104 : i32 to vector<16xi32>
    %and3A_106 = arith.andi %get3A_103, %and3A_105 : vector<16xi32>
    %swap3A_107 = arith.constant 64 : index
    %swap3A_108 = tpu.vector_load %arg6[%swap3A_107] {strides = array<i32>} : memref<128xi32, #tpu.memory_space<vmem>>, vector<16xi32>,
    %swap3A_109 = vector.shape_cast %swap3A_108 : vector<16xi32> to vector<16xi32>
    %swap3A_110 = vector.shape_cast %and3A_106 : vector<16xi32> to vector<16xi32>
    tpu.vector_store %arg6[%swap3A_107], %swap3A_110 {strides = array<i32>} : memref<128xi32, #tpu.memory_space<vmem>>, vector<16xi32>,
    %shift_right_logical3A_111 = arith.constant 14 : i32
    %shift_right_logical3A_112 = vector.broadcast %shift_right_logical3A_111 : i32 to vector<16xi32>
    %shift_right_logical3A_113 = arith.shrui %get3A_103, %shift_right_logical3A_112 : vector<16xi32>
    %swap3A_114 = arith.constant 64 : index
    %swap3A_115 = tpu.vector_load %arg7[%swap3A_114] {strides = array<i32>} : memref<128xi32, #tpu.memory_space<vmem>>, vector<16xi32>,
    %swap3A_116 = vector.shape_cast %swap3A_115 : vector<16xi32> to vector<16xi32>
    %swap3A_117 = vector.shape_cast %shift_right_logical3A_113 : vector<16xi32> to vector<16xi32>
    tpu.vector_store %arg7[%swap3A_114], %swap3A_117 {strides = array<i32>} : memref<128xi32, #tpu.memory_space<vmem>>, vector<16xi32>,
    %get3A_118 = arith.constant 0 : i32
    %get3A_119 = arith.index_cast %get3A_118 : i32 to index
    %get3A_120 = arith.constant 80 : index
    %get3A_121 = tpu.vector_load %arg5[%get3A_119, %get3A_120] {strides = array<i32>} : memref<80x128xi32, #tpu.memory_space<vmem>>, vector<1x16xi32>,
    %get3A_122 = vector.shape_cast %get3A_121 : vector<1x16xi32> to vector<16xi32>
    %and3A_123 = arith.constant 16383 : i32
    %and3A_124 = vector.broadcast %and3A_123 : i32 to vector<16xi32>
    %and3A_125 = arith.andi %get3A_122, %and3A_124 : vector<16xi32>
    %swap3A_126 = arith.constant 80 : index
    %swap3A_127 = tpu.vector_load %arg6[%swap3A_126] {strides = array<i32>} : memref<128xi32, #tpu.memory_space<vmem>>, vector<16xi32>,
    %swap3A_128 = vector.shape_cast %swap3A_127 : vector<16xi32> to vector<16xi32>
    %swap3A_129 = vector.shape_cast %and3A_125 : vector<16xi32> to vector<16xi32>
    tpu.vector_store %arg6[%swap3A_126], %swap3A_129 {strides = array<i32>} : memref<128xi32, #tpu.memory_space<vmem>>, vector<16xi32>,
    %shift_right_logical3A_130 = arith.constant 14 : i32
    %shift_right_logical3A_131 = vector.broadcast %shift_right_logical3A_130 : i32 to vector<16xi32>
    %shift_right_logical3A_132 = arith.shrui %get3A_122, %shift_right_logical3A_131 : vector<16xi32>
    %swap3A_133 = arith.constant 80 : index
    %swap3A_134 = tpu.vector_load %arg7[%swap3A_133] {strides = array<i32>} : memref<128xi32, #tpu.memory_space<vmem>>, vector<16xi32>,
    %swap3A_135 = vector.shape_cast %swap3A_134 : vector<16xi32> to vector<16xi32>
    %swap3A_136 = vector.shape_cast %shift_right_logical3A_132 : vector<16xi32> to vector<16xi32>
    tpu.vector_store %arg7[%swap3A_133], %swap3A_136 {strides = array<i32>} : memref<128xi32, #tpu.memory_space<vmem>>, vector<16xi32>,
    %get3A_137 = arith.constant 0 : i32
    %get3A_138 = arith.index_cast %get3A_137 : i32 to index
    %get3A_139 = arith.constant 96 : index
    %get3A_140 = tpu.vector_load %arg5[%get3A_138, %get3A_139] {strides = array<i32>} : memref<80x128xi32, #tpu.memory_space<vmem>>, vector<1x16xi32>,
    %get3A_141 = vector.shape_cast %get3A_140 : vector<1x16xi32> to vector<16xi32>
    %and3A_142 = arith.constant 16383 : i32
    %and3A_143 = vector.broadcast %and3A_142 : i32 to vector<16xi32>
    %and3A_144 = arith.andi %get3A_141, %and3A_143 : vector<16xi32>
    %swap3A_145 = arith.constant 96 : index
    %swap3A_146 = tpu.vector_load %arg6[%swap3A_145] {strides = array<i32>} : memref<128xi32, #tpu.memory_space<vmem>>, vector<16xi32>,
    %swap3A_147 = vector.shape_cast %swap3A_146 : vector<16xi32> to vector<16xi32>
    %swap3A_148 = vector.shape_cast %and3A_144 : vector<16xi32> to vector<16xi32>
    tpu.vector_store %arg6[%swap3A_145], %swap3A_148 {strides = array<i32>} : memref<128xi32, #tpu.memory_space<vmem>>, vector<16xi32>,
    %shift_right_logical3A_149 = arith.constant 14 : i32
    %shift_right_logical3A_150 = vector.broadcast %shift_right_logical3A_149 : i32 to vector<16xi32>
    %shift_right_logical3A_151 = arith.shrui %get3A_141, %shift_right_logical3A_150 : vector<16xi32>
    %swap3A_152 = arith.constant 96 : index
    %swap3A_153 = tpu.vector_load %arg7[%swap3A_152] {strides = array<i32>} : memref<128xi32, #tpu.memory_space<vmem>>, vector<16xi32>,
    %swap3A_154 = vector.shape_cast %swap3A_153 : vector<16xi32> to vector<16xi32>
    %swap3A_155 = vector.shape_cast %shift_right_logical3A_151 : vector<16xi32> to vector<16xi32>
    tpu.vector_store %arg7[%swap3A_152], %swap3A_155 {strides = array<i32>} : memref<128xi32, #tpu.memory_space<vmem>>, vector<16xi32>,
    %get3A_156 = arith.constant 0 : i32
    %get3A_157 = arith.index_cast %get3A_156 : i32 to index
    %get3A_158 = arith.constant 112 : index
    %get3A_159 = tpu.vector_load %arg5[%get3A_157, %get3A_158] {strides = array<i32>} : memref<80x128xi32, #tpu.memory_space<vmem>>, vector<1x16xi32>,
    %get3A_160 = vector.shape_cast %get3A_159 : vector<1x16xi32> to vector<16xi32>
    %and3A_161 = arith.constant 16383 : i32
    %and3A_162 = vector.broadcast %and3A_161 : i32 to vector<16xi32>
    %and3A_163 = arith.andi %get3A_160, %and3A_162 : vector<16xi32>
    %swap3A_164 = arith.constant 112 : index
    %swap3A_165 = tpu.vector_load %arg6[%swap3A_164] {strides = array<i32>} : memref<128xi32, #tpu.memory_space<vmem>>, vector<16xi32>,
    %swap3A_166 = vector.shape_cast %swap3A_165 : vector<16xi32> to vector<16xi32>
    %swap3A_167 = vector.shape_cast %and3A_163 : vector<16xi32> to vector<16xi32>
    tpu.vector_store %arg6[%swap3A_164], %swap3A_167 {strides = array<i32>} : memref<128xi32, #tpu.memory_space<vmem>>, vector<16xi32>,
    %shift_right_logical3A_168 = arith.constant 14 : i32
    %shift_right_logical3A_169 = vector.broadcast %shift_right_logical3A_168 : i32 to vector<16xi32>
    %shift_right_logical3A_170 = arith.shrui %get3A_160, %shift_right_logical3A_169 : vector<16xi32>
    %swap3A_171 = arith.constant 112 : index
    %swap3A_172 = tpu.vector_load %arg7[%swap3A_171] {strides = array<i32>} : memref<128xi32, #tpu.memory_space<vmem>>, vector<16xi32>,
    %swap3A_173 = vector.shape_cast %swap3A_172 : vector<16xi32> to vector<16xi32>
    %swap3A_174 = vector.shape_cast %shift_right_logical3A_170 : vector<16xi32> to vector<16xi32>
    tpu.vector_store %arg7[%swap3A_171], %swap3A_174 {strides = array<i32>} : memref<128xi32, #tpu.memory_space<vmem>>, vector<16xi32>,
    %dma_start3A = arith.constant 0 : i32
    %dma_start3A_175 = arith.constant 0 : i32
    %dma_start3A_176 = tpu.memref_slice %arg2[%dma_start3A, %dma_start3A_175] : memref<10112x128xf32, #tpu.memory_space<hbm>> -> memref<10112x128xf32, #tpu.memory_space<hbm>>
    tpu.enqueue_indirect_dma source(%dma_start3A_176 : memref<10112x128xf32, #tpu.memory_space<hbm>>) target(%arg8 : memref<128x128xf32, #tpu.memory_space<vmem>>) offsets(%arg6 : memref<128xi32, #tpu.memory_space<vmem>>) semaphore(%arg12 : memref<!tpu.dma_semaphore, #tpu.memory_space<semaphore_mem>>)
    %scan3A_177 = arith.constant 0 : i32
    %scan3A_178 = arith.constant 0 : i32
    %scan3A_179 = arith.constant 40 : i32
    %scan3A_180 = arith.addi %scan3A_178, %scan3A_179 : i32
    %scan3A_181 = arith.constant 1 : i32
    scf.for %scan3A_188 = %scan3A_178 to %scan3A_180 step %scan3A_181  : i32 {
      %mul3A_189 = arith.constant 2 : i32
      %mul3A_190 = arith.muli %mul3A_189, %scan3A_188 : i32
      %add3A_191 = arith.constant 1 : i32
      %add3A_192 = arith.addi %mul3A_190, %add3A_191 : i32
      %get3A_193 = arith.index_cast %add3A_192 : i32 to index
      %get3A_194 = arith.constant 0 : index
      %get3A_195 = tpu.vector_load %arg5[%get3A_193, %get3A_194] {strides = array<i32>} : memref<80x128xi32, #tpu.memory_space<vmem>>, vector<1x16xi32>,
      %get3A_196 = vector.shape_cast %get3A_195 : vector<1x16xi32> to vector<16xi32>
      %and3A_197 = arith.constant 16383 : i32
      %and3A_198 = vector.broadcast %and3A_197 : i32 to vector<16xi32>
      %and3A_199 = arith.andi %get3A_196, %and3A_198 : vector<16xi32>
      %swap3A_200 = arith.constant 0 : index
      %swap3A_201 = tpu.vector_load %arg9[%swap3A_200] {strides = array<i32>} : memref<128xi32, #tpu.memory_space<vmem>>, vector<16xi32>,
      %swap3A_202 = vector.shape_cast %swap3A_201 : vector<16xi32> to vector<16xi32>
      %swap3A_203 = vector.shape_cast %and3A_199 : vector<16xi32> to vector<16xi32>
      tpu.vector_store %arg9[%swap3A_200], %swap3A_203 {strides = array<i32>} : memref<128xi32, #tpu.memory_space<vmem>>, vector<16xi32>,
      %shift_right_logical3A_204 = arith.constant 14 : i32
      %shift_right_logical3A_205 = vector.broadcast %shift_right_logical3A_204 : i32 to vector<16xi32>
      %shift_right_logical3A_206 = arith.shrui %get3A_196, %shift_right_logical3A_205 : vector<16xi32>
      %swap3A_207 = arith.constant 0 : index
      %swap3A_208 = tpu.vector_load %arg10[%swap3A_207] {strides = array<i32>} : memref<128xi32, #tpu.memory_space<vmem>>, vector<16xi32>,
      %swap3A_209 = vector.shape_cast %swap3A_208 : vector<16xi32> to vector<16xi32>
      %swap3A_210 = vector.shape_cast %shift_right_logical3A_206 : vector<16xi32> to vector<16xi32>
      tpu.vector_store %arg10[%swap3A_207], %swap3A_210 {strides = array<i32>} : memref<128xi32, #tpu.memory_space<vmem>>, vector<16xi32>,
      %get3A_211 = arith.index_cast %add3A_192 : i32 to index
      %get3A_212 = arith.constant 16 : index
      %get3A_213 = tpu.vector_load %arg5[%get3A_211, %get3A_212] {strides = array<i32>} : memref<80x128xi32, #tpu.memory_space<vmem>>, vector<1x16xi32>,
      %get3A_214 = vector.shape_cast %get3A_213 : vector<1x16xi32> to vector<16xi32>
      %and3A_215 = arith.constant 16383 : i32
      %and3A_216 = vector.broadcast %and3A_215 : i32 to vector<16xi32>
      %and3A_217 = arith.andi %get3A_214, %and3A_216 : vector<16xi32>
      %swap3A_218 = arith.constant 16 : index
      %swap3A_219 = tpu.vector_load %arg9[%swap3A_218] {strides = array<i32>} : memref<128xi32, #tpu.memory_space<vmem>>, vector<16xi32>,
      %swap3A_220 = vector.shape_cast %swap3A_219 : vector<16xi32> to vector<16xi32>
      %swap3A_221 = vector.shape_cast %and3A_217 : vector<16xi32> to vector<16xi32>
      tpu.vector_store %arg9[%swap3A_218], %swap3A_221 {strides = array<i32>} : memref<128xi32, #tpu.memory_space<vmem>>, vector<16xi32>,
      %shift_right_logical3A_222 = arith.constant 14 : i32
      %shift_right_logical3A_223 = vector.broadcast %shift_right_logical3A_222 : i32 to vector<16xi32>
      %shift_right_logical3A_224 = arith.shrui %get3A_214, %shift_right_logical3A_223 : vector<16xi32>
      %swap3A_225 = arith.constant 16 : index
      %swap3A_226 = tpu.vector_load %arg10[%swap3A_225] {strides = array<i32>} : memref<128xi32, #tpu.memory_space<vmem>>, vector<16xi32>,
      %swap3A_227 = vector.shape_cast %swap3A_226 : vector<16xi32> to vector<16xi32>
      %swap3A_228 = vector.shape_cast %shift_right_logical3A_224 : vector<16xi32> to vector<16xi32>
      tpu.vector_store %arg10[%swap3A_225], %swap3A_228 {strides = array<i32>} : memref<128xi32, #tpu.memory_space<vmem>>, vector<16xi32>,
      %get3A_229 = arith.index_cast %add3A_192 : i32 to index
      %get3A_230 = arith.constant 32 : index
      %get3A_231 = tpu.vector_load %arg5[%get3A_229, %get3A_230] {strides = array<i32>} : memref<80x128xi32, #tpu.memory_space<vmem>>, vector<1x16xi32>,
      %get3A_232 = vector.shape_cast %get3A_231 : vector<1x16xi32> to vector<16xi32>
      %and3A_233 = arith.constant 16383 : i32
      %and3A_234 = vector.broadcast %and3A_233 : i32 to vector<16xi32>
      %and3A_235 = arith.andi %get3A_232, %and3A_234 : vector<16xi32>
      %swap3A_236 = arith.constant 32 : index
      %swap3A_237 = tpu.vector_load %arg9[%swap3A_236] {strides = array<i32>} : memref<128xi32, #tpu.memory_space<vmem>>, vector<16xi32>,
      %swap3A_238 = vector.shape_cast %swap3A_237 : vector<16xi32> to vector<16xi32>
      %swap3A_239 = vector.shape_cast %and3A_235 : vector<16xi32> to vector<16xi32>
      tpu.vector_store %arg9[%swap3A_236], %swap3A_239 {strides = array<i32>} : memref<128xi32, #tpu.memory_space<vmem>>, vector<16xi32>,
      %shift_right_logical3A_240 = arith.constant 14 : i32
      %shift_right_logical3A_241 = vector.broadcast %shift_right_logical3A_240 : i32 to vector<16xi32>
      %shift_right_logical3A_242 = arith.shrui %get3A_232, %shift_right_logical3A_241 : vector<16xi32>
      %swap3A_243 = arith.constant 32 : index
      %swap3A_244 = tpu.vector_load %arg10[%swap3A_243] {strides = array<i32>} : memref<128xi32, #tpu.memory_space<vmem>>, vector<16xi32>,
      %swap3A_245 = vector.shape_cast %swap3A_244 : vector<16xi32> to vector<16xi32>
      %swap3A_246 = vector.shape_cast %shift_right_logical3A_242 : vector<16xi32> to vector<16xi32>
      tpu.vector_store %arg10[%swap3A_243], %swap3A_246 {strides = array<i32>} : memref<128xi32, #tpu.memory_space<vmem>>, vector<16xi32>,
      %get3A_247 = arith.index_cast %add3A_192 : i32 to index
      %get3A_248 = arith.constant 48 : index
      %get3A_249 = tpu.vector_load %arg5[%get3A_247, %get3A_248] {strides = array<i32>} : memref<80x128xi32, #tpu.memory_space<vmem>>, vector<1x16xi32>,
      %get3A_250 = vector.shape_cast %get3A_249 : vector<1x16xi32> to vector<16xi32>
      %and3A_251 = arith.constant 16383 : i32
      %and3A_252 = vector.broadcast %and3A_251 : i32 to vector<16xi32>
      %and3A_253 = arith.andi %get3A_250, %and3A_252 : vector<16xi32>
      %swap3A_254 = arith.constant 48 : index
      %swap3A_255 = tpu.vector_load %arg9[%swap3A_254] {strides = array<i32>} : memref<128xi32, #tpu.memory_space<vmem>>, vector<16xi32>,
      %swap3A_256 = vector.shape_cast %swap3A_255 : vector<16xi32> to vector<16xi32>
      %swap3A_257 = vector.shape_cast %and3A_253 : vector<16xi32> to vector<16xi32>
      tpu.vector_store %arg9[%swap3A_254], %swap3A_257 {strides = array<i32>} : memref<128xi32, #tpu.memory_space<vmem>>, vector<16xi32>,
      %shift_right_logical3A_258 = arith.constant 14 : i32
      %shift_right_logical3A_259 = vector.broadcast %shift_right_logical3A_258 : i32 to vector<16xi32>
      %shift_right_logical3A_260 = arith.shrui %get3A_250, %shift_right_logical3A_259 : vector<16xi32>
      %swap3A_261 = arith.constant 48 : index
      %swap3A_262 = tpu.vector_load %arg10[%swap3A_261] {strides = array<i32>} : memref<128xi32, #tpu.memory_space<vmem>>, vector<16xi32>,
      %swap3A_263 = vector.shape_cast %swap3A_262 : vector<16xi32> to vector<16xi32>
      %swap3A_264 = vector.shape_cast %shift_right_logical3A_260 : vector<16xi32> to vector<16xi32>
      tpu.vector_store %arg10[%swap3A_261], %swap3A_264 {strides = array<i32>} : memref<128xi32, #tpu.memory_space<vmem>>, vector<16xi32>,
      %get3A_265 = arith.index_cast %add3A_192 : i32 to index
      %get3A_266 = arith.constant 64 : index
      %get3A_267 = tpu.vector_load %arg5[%get3A_265, %get3A_266] {strides = array<i32>} : memref<80x128xi32, #tpu.memory_space<vmem>>, vector<1x16xi32>,
      %get3A_268 = vector.shape_cast %get3A_267 : vector<1x16xi32> to vector<16xi32>
      %and3A_269 = arith.constant 16383 : i32
      %and3A_270 = vector.broadcast %and3A_269 : i32 to vector<16xi32>
      %and3A_271 = arith.andi %get3A_268, %and3A_270 : vector<16xi32>
      %swap3A_272 = arith.constant 64 : index
      %swap3A_273 = tpu.vector_load %arg9[%swap3A_272] {strides = array<i32>} : memref<128xi32, #tpu.memory_space<vmem>>, vector<16xi32>,
      %swap3A_274 = vector.shape_cast %swap3A_273 : vector<16xi32> to vector<16xi32>
      %swap3A_275 = vector.shape_cast %and3A_271 : vector<16xi32> to vector<16xi32>
      tpu.vector_store %arg9[%swap3A_272], %swap3A_275 {strides = array<i32>} : memref<128xi32, #tpu.memory_space<vmem>>, vector<16xi32>,
      %shift_right_logical3A_276 = arith.constant 14 : i32
      %shift_right_logical3A_277 = vector.broadcast %shift_right_logical3A_276 : i32 to vector<16xi32>
      %shift_right_logical3A_278 = arith.shrui %get3A_268, %shift_right_logical3A_277 : vector<16xi32>
      %swap3A_279 = arith.constant 64 : index
      %swap3A_280 = tpu.vector_load %arg10[%swap3A_279] {strides = array<i32>} : memref<128xi32, #tpu.memory_space<vmem>>, vector<16xi32>,
      %swap3A_281 = vector.shape_cast %swap3A_280 : vector<16xi32> to vector<16xi32>
      %swap3A_282 = vector.shape_cast %shift_right_logical3A_278 : vector<16xi32> to vector<16xi32>
      tpu.vector_store %arg10[%swap3A_279], %swap3A_282 {strides = array<i32>} : memref<128xi32, #tpu.memory_space<vmem>>, vector<16xi32>,
      %get3A_283 = arith.index_cast %add3A_192 : i32 to index
      %get3A_284 = arith.constant 80 : index
      %get3A_285 = tpu.vector_load %arg5[%get3A_283, %get3A_284] {strides = array<i32>} : memref<80x128xi32, #tpu.memory_space<vmem>>, vector<1x16xi32>,
      %get3A_286 = vector.shape_cast %get3A_285 : vector<1x16xi32> to vector<16xi32>
      %and3A_287 = arith.constant 16383 : i32
      %and3A_288 = vector.broadcast %and3A_287 : i32 to vector<16xi32>
      %and3A_289 = arith.andi %get3A_286, %and3A_288 : vector<16xi32>
      %swap3A_290 = arith.constant 80 : index
      %swap3A_291 = tpu.vector_load %arg9[%swap3A_290] {strides = array<i32>} : memref<128xi32, #tpu.memory_space<vmem>>, vector<16xi32>,
      %swap3A_292 = vector.shape_cast %swap3A_291 : vector<16xi32> to vector<16xi32>
      %swap3A_293 = vector.shape_cast %and3A_289 : vector<16xi32> to vector<16xi32>
      tpu.vector_store %arg9[%swap3A_290], %swap3A_293 {strides = array<i32>} : memref<128xi32, #tpu.memory_space<vmem>>, vector<16xi32>,
      %shift_right_logical3A_294 = arith.constant 14 : i32
      %shift_right_logical3A_295 = vector.broadcast %shift_right_logical3A_294 : i32 to vector<16xi32>
      %shift_right_logical3A_296 = arith.shrui %get3A_286, %shift_right_logical3A_295 : vector<16xi32>
      %swap3A_297 = arith.constant 80 : index
      %swap3A_298 = tpu.vector_load %arg10[%swap3A_297] {strides = array<i32>} : memref<128xi32, #tpu.memory_space<vmem>>, vector<16xi32>,
      %swap3A_299 = vector.shape_cast %swap3A_298 : vector<16xi32> to vector<16xi32>
      %swap3A_300 = vector.shape_cast %shift_right_logical3A_296 : vector<16xi32> to vector<16xi32>
      tpu.vector_store %arg10[%swap3A_297], %swap3A_300 {strides = array<i32>} : memref<128xi32, #tpu.memory_space<vmem>>, vector<16xi32>,
      %get3A_301 = arith.index_cast %add3A_192 : i32 to index
      %get3A_302 = arith.constant 96 : index
      %get3A_303 = tpu.vector_load %arg5[%get3A_301, %get3A_302] {strides = array<i32>} : memref<80x128xi32, #tpu.memory_space<vmem>>, vector<1x16xi32>,
      %get3A_304 = vector.shape_cast %get3A_303 : vector<1x16xi32> to vector<16xi32>
      %and3A_305 = arith.constant 16383 : i32
      %and3A_306 = vector.broadcast %and3A_305 : i32 to vector<16xi32>
      %and3A_307 = arith.andi %get3A_304, %and3A_306 : vector<16xi32>
      %swap3A_308 = arith.constant 96 : index
      %swap3A_309 = tpu.vector_load %arg9[%swap3A_308] {strides = array<i32>} : memref<128xi32, #tpu.memory_space<vmem>>, vector<16xi32>,
      %swap3A_310 = vector.shape_cast %swap3A_309 : vector<16xi32> to vector<16xi32>
      %swap3A_311 = vector.shape_cast %and3A_307 : vector<16xi32> to vector<16xi32>
      tpu.vector_store %arg9[%swap3A_308], %swap3A_311 {strides = array<i32>} : memref<128xi32, #tpu.memory_space<vmem>>, vector<16xi32>,
      %shift_right_logical3A_312 = arith.constant 14 : i32
      %shift_right_logical3A_313 = vector.broadcast %shift_right_logical3A_312 : i32 to vector<16xi32>
      %shift_right_logical3A_314 = arith.shrui %get3A_304, %shift_right_logical3A_313 : vector<16xi32>
      %swap3A_315 = arith.constant 96 : index
      %swap3A_316 = tpu.vector_load %arg10[%swap3A_315] {strides = array<i32>} : memref<128xi32, #tpu.memory_space<vmem>>, vector<16xi32>,
      %swap3A_317 = vector.shape_cast %swap3A_316 : vector<16xi32> to vector<16xi32>
      %swap3A_318 = vector.shape_cast %shift_right_logical3A_314 : vector<16xi32> to vector<16xi32>
      tpu.vector_store %arg10[%swap3A_315], %swap3A_318 {strides = array<i32>} : memref<128xi32, #tpu.memory_space<vmem>>, vector<16xi32>,
      %get3A_319 = arith.index_cast %add3A_192 : i32 to index
      %get3A_320 = arith.constant 112 : index
      %get3A_321 = tpu.vector_load %arg5[%get3A_319, %get3A_320] {strides = array<i32>} : memref<80x128xi32, #tpu.memory_space<vmem>>, vector<1x16xi32>,
      %get3A_322 = vector.shape_cast %get3A_321 : vector<1x16xi32> to vector<16xi32>
      %and3A_323 = arith.constant 16383 : i32
      %and3A_324 = vector.broadcast %and3A_323 : i32 to vector<16xi32>
      %and3A_325 = arith.andi %get3A_322, %and3A_324 : vector<16xi32>
      %swap3A_326 = arith.constant 112 : index
      %swap3A_327 = tpu.vector_load %arg9[%swap3A_326] {strides = array<i32>} : memref<128xi32, #tpu.memory_space<vmem>>, vector<16xi32>,
      %swap3A_328 = vector.shape_cast %swap3A_327 : vector<16xi32> to vector<16xi32>
      %swap3A_329 = vector.shape_cast %and3A_325 : vector<16xi32> to vector<16xi32>
      tpu.vector_store %arg9[%swap3A_326], %swap3A_329 {strides = array<i32>} : memref<128xi32, #tpu.memory_space<vmem>>, vector<16xi32>,
      %shift_right_logical3A_330 = arith.constant 14 : i32
      %shift_right_logical3A_331 = vector.broadcast %shift_right_logical3A_330 : i32 to vector<16xi32>
      %shift_right_logical3A_332 = arith.shrui %get3A_322, %shift_right_logical3A_331 : vector<16xi32>
      %swap3A_333 = arith.constant 112 : index
      %swap3A_334 = tpu.vector_load %arg10[%swap3A_333] {strides = array<i32>} : memref<128xi32, #tpu.memory_space<vmem>>, vector<16xi32>,
      %swap3A_335 = vector.shape_cast %swap3A_334 : vector<16xi32> to vector<16xi32>
      %swap3A_336 = vector.shape_cast %shift_right_logical3A_332 : vector<16xi32> to vector<16xi32>
      tpu.vector_store %arg10[%swap3A_333], %swap3A_336 {strides = array<i32>} : memref<128xi32, #tpu.memory_space<vmem>>, vector<16xi32>,
      %dma_start3A_337 = arith.constant 0 : i32
      %dma_start3A_338 = arith.constant 0 : i32
      %dma_start3A_339 = tpu.memref_slice %arg2[%dma_start3A_337, %dma_start3A_338] : memref<10112x128xf32, #tpu.memory_space<hbm>> -> memref<10112x128xf32, #tpu.memory_space<hbm>>
      tpu.enqueue_indirect_dma source(%dma_start3A_339 : memref<10112x128xf32, #tpu.memory_space<hbm>>) target(%arg11 : memref<128x128xf32, #tpu.memory_space<vmem>>) offsets(%arg9 : memref<128xi32, #tpu.memory_space<vmem>>) semaphore(%arg13 : memref<!tpu.dma_semaphore, #tpu.memory_space<semaphore_mem>>)
      %dma_wait3A = arith.constant 0 : i32
      %dma_wait3A_340 = arith.constant 0 : i32
      %dma_wait3A_341 = tpu.memref_slice %arg2[%dma_wait3A, %dma_wait3A_340] : memref<10112x128xf32, #tpu.memory_space<hbm>> -> memref<10112x128xf32, #tpu.memory_space<hbm>>
      tpu.wait_indirect_dma semaphore(%arg12 : memref<!tpu.dma_semaphore, #tpu.memory_space<semaphore_mem>>) src(%dma_wait3A_341 : memref<10112x128xf32, #tpu.memory_space<hbm>>) dst(%arg8 : memref<128x128xf32, #tpu.memory_space<vmem>>)
      "tpu.region"() ({
        %run_scoped3A = tpu.sem_alloc : memref<!tpu.dma_semaphore, #tpu.memory_space<semaphore_mem>>
        %dma_start3A_349 = arith.constant 0 : i32
        %dma_start3A_350 = arith.constant 0 : i32
        %dma_start3A_351 = tpu.memref_slice %arg14[%dma_start3A_349, %dma_start3A_350] : memref<10112x128xf32, #tpu.memory_space<vmem_shared>> -> memref<10112x128xf32, #tpu.memory_space<vmem_shared>>
        tpu.enqueue_indirect_dma source(%arg8 : memref<128x128xf32, #tpu.memory_space<vmem>>) target(%dma_start3A_351 : memref<10112x128xf32, #tpu.memory_space<vmem_shared>>) offsets(%arg7 : memref<128xi32, #tpu.memory_space<vmem>>) semaphore(%run_scoped3A : memref<!tpu.dma_semaphore, #tpu.memory_space<semaphore_mem>>) {add = true}
        %dma_wait3A_352 = arith.constant 0 : i32
        %dma_wait3A_353 = arith.constant 0 : i32
        %dma_wait3A_354 = tpu.memref_slice %arg14[%dma_wait3A_352, %dma_wait3A_353] : memref<10112x128xf32, #tpu.memory_space<vmem_shared>> -> memref<10112x128xf32, #tpu.memory_space<vmem_shared>>
        tpu.wait_indirect_dma semaphore(%run_scoped3A : memref<!tpu.dma_semaphore, #tpu.memory_space<semaphore_mem>>) src(%arg8 : memref<128x128xf32, #tpu.memory_space<vmem>>) dst(%dma_wait3A_354 : memref<10112x128xf32, #tpu.memory_space<vmem_shared>>)
        tpu.yield
      }) : () -> ()
      %add3A_342 = arith.constant 1 : i32
      %add3A_343 = arith.addi %scan3A_188, %add3A_342 : i32
      %lt3A = arith.constant 40 : i32
      %lt3A_344 = arith.cmpi slt, %add3A_343, %lt3A : i32
      %convert_element_type3A = arith.extui %lt3A_344 : i1 to i32
      %cond3A = arith.constant 0 : i32
      %cond3A_345 = arith.cmpi ne, %convert_element_type3A, %cond3A : i32
      scf.if %cond3A_345 {
        %mul3A_349 = arith.constant 2 : i32
        %mul3A_350 = arith.muli %mul3A_349, %scan3A_188 : i32
        %add3A_351 = arith.constant 2 : i32
        %add3A_352 = arith.addi %mul3A_350, %add3A_351 : i32
        %get3A_353 = arith.index_cast %add3A_352 : i32 to index
        %get3A_354 = arith.constant 0 : index
        %get3A_355 = tpu.vector_load %arg5[%get3A_353, %get3A_354] {strides = array<i32>} : memref<80x128xi32, #tpu.memory_space<vmem>>, vector<1x16xi32>,
        %get3A_356 = vector.shape_cast %get3A_355 : vector<1x16xi32> to vector<16xi32>
        %and3A_357 = arith.constant 16383 : i32
        %and3A_358 = vector.broadcast %and3A_357 : i32 to vector<16xi32>
        %and3A_359 = arith.andi %get3A_356, %and3A_358 : vector<16xi32>
        %swap3A_360 = arith.constant 0 : index
        %swap3A_361 = tpu.vector_load %arg6[%swap3A_360] {strides = array<i32>} : memref<128xi32, #tpu.memory_space<vmem>>, vector<16xi32>,
        %swap3A_362 = vector.shape_cast %swap3A_361 : vector<16xi32> to vector<16xi32>
        %swap3A_363 = vector.shape_cast %and3A_359 : vector<16xi32> to vector<16xi32>
        tpu.vector_store %arg6[%swap3A_360], %swap3A_363 {strides = array<i32>} : memref<128xi32, #tpu.memory_space<vmem>>, vector<16xi32>,
        %shift_right_logical3A_364 = arith.constant 14 : i32
        %shift_right_logical3A_365 = vector.broadcast %shift_right_logical3A_364 : i32 to vector<16xi32>
        %shift_right_logical3A_366 = arith.shrui %get3A_356, %shift_right_logical3A_365 : vector<16xi32>
        %swap3A_367 = arith.constant 0 : index
        %swap3A_368 = tpu.vector_load %arg7[%swap3A_367] {strides = array<i32>} : memref<128xi32, #tpu.memory_space<vmem>>, vector<16xi32>,
        %swap3A_369 = vector.shape_cast %swap3A_368 : vector<16xi32> to vector<16xi32>
        %swap3A_370 = vector.shape_cast %shift_right_logical3A_366 : vector<16xi32> to vector<16xi32>
        tpu.vector_store %arg7[%swap3A_367], %swap3A_370 {strides = array<i32>} : memref<128xi32, #tpu.memory_space<vmem>>, vector<16xi32>,
        %get3A_371 = arith.index_cast %add3A_352 : i32 to index
        %get3A_372 = arith.constant 16 : index
        %get3A_373 = tpu.vector_load %arg5[%get3A_371, %get3A_372] {strides = array<i32>} : memref<80x128xi32, #tpu.memory_space<vmem>>, vector<1x16xi32>,
        %get3A_374 = vector.shape_cast %get3A_373 : vector<1x16xi32> to vector<16xi32>
        %and3A_375 = arith.constant 16383 : i32
        %and3A_376 = vector.broadcast %and3A_375 : i32 to vector<16xi32>
        %and3A_377 = arith.andi %get3A_374, %and3A_376 : vector<16xi32>
        %swap3A_378 = arith.constant 16 : index
        %swap3A_379 = tpu.vector_load %arg6[%swap3A_378] {strides = array<i32>} : memref<128xi32, #tpu.memory_space<vmem>>, vector<16xi32>,
        %swap3A_380 = vector.shape_cast %swap3A_379 : vector<16xi32> to vector<16xi32>
        %swap3A_381 = vector.shape_cast %and3A_377 : vector<16xi32> to vector<16xi32>
        tpu.vector_store %arg6[%swap3A_378], %swap3A_381 {strides = array<i32>} : memref<128xi32, #tpu.memory_space<vmem>>, vector<16xi32>,
        %shift_right_logical3A_382 = arith.constant 14 : i32
        %shift_right_logical3A_383 = vector.broadcast %shift_right_logical3A_382 : i32 to vector<16xi32>
        %shift_right_logical3A_384 = arith.shrui %get3A_374, %shift_right_logical3A_383 : vector<16xi32>
        %swap3A_385 = arith.constant 16 : index
        %swap3A_386 = tpu.vector_load %arg7[%swap3A_385] {strides = array<i32>} : memref<128xi32, #tpu.memory_space<vmem>>, vector<16xi32>,
        %swap3A_387 = vector.shape_cast %swap3A_386 : vector<16xi32> to vector<16xi32>
        %swap3A_388 = vector.shape_cast %shift_right_logical3A_384 : vector<16xi32> to vector<16xi32>
        tpu.vector_store %arg7[%swap3A_385], %swap3A_388 {strides = array<i32>} : memref<128xi32, #tpu.memory_space<vmem>>, vector<16xi32>,
        %get3A_389 = arith.index_cast %add3A_352 : i32 to index
        %get3A_390 = arith.constant 32 : index
        %get3A_391 = tpu.vector_load %arg5[%get3A_389, %get3A_390] {strides = array<i32>} : memref<80x128xi32, #tpu.memory_space<vmem>>, vector<1x16xi32>,
        %get3A_392 = vector.shape_cast %get3A_391 : vector<1x16xi32> to vector<16xi32>
        %and3A_393 = arith.constant 16383 : i32
        %and3A_394 = vector.broadcast %and3A_393 : i32 to vector<16xi32>
        %and3A_395 = arith.andi %get3A_392, %and3A_394 : vector<16xi32>
        %swap3A_396 = arith.constant 32 : index
        %swap3A_397 = tpu.vector_load %arg6[%swap3A_396] {strides = array<i32>} : memref<128xi32, #tpu.memory_space<vmem>>, vector<16xi32>,
        %swap3A_398 = vector.shape_cast %swap3A_397 : vector<16xi32> to vector<16xi32>
        %swap3A_399 = vector.shape_cast %and3A_395 : vector<16xi32> to vector<16xi32>
        tpu.vector_store %arg6[%swap3A_396], %swap3A_399 {strides = array<i32>} : memref<128xi32, #tpu.memory_space<vmem>>, vector<16xi32>,
        %shift_right_logical3A_400 = arith.constant 14 : i32
        %shift_right_logical3A_401 = vector.broadcast %shift_right_logical3A_400 : i32 to vector<16xi32>
        %shift_right_logical3A_402 = arith.shrui %get3A_392, %shift_right_logical3A_401 : vector<16xi32>
        %swap3A_403 = arith.constant 32 : index
        %swap3A_404 = tpu.vector_load %arg7[%swap3A_403] {strides = array<i32>} : memref<128xi32, #tpu.memory_space<vmem>>, vector<16xi32>,
        %swap3A_405 = vector.shape_cast %swap3A_404 : vector<16xi32> to vector<16xi32>
        %swap3A_406 = vector.shape_cast %shift_right_logical3A_402 : vector<16xi32> to vector<16xi32>
        tpu.vector_store %arg7[%swap3A_403], %swap3A_406 {strides = array<i32>} : memref<128xi32, #tpu.memory_space<vmem>>, vector<16xi32>,
        %get3A_407 = arith.index_cast %add3A_352 : i32 to index
        %get3A_408 = arith.constant 48 : index
        %get3A_409 = tpu.vector_load %arg5[%get3A_407, %get3A_408] {strides = array<i32>} : memref<80x128xi32, #tpu.memory_space<vmem>>, vector<1x16xi32>,
        %get3A_410 = vector.shape_cast %get3A_409 : vector<1x16xi32> to vector<16xi32>
        %and3A_411 = arith.constant 16383 : i32
        %and3A_412 = vector.broadcast %and3A_411 : i32 to vector<16xi32>
        %and3A_413 = arith.andi %get3A_410, %and3A_412 : vector<16xi32>
        %swap3A_414 = arith.constant 48 : index
        %swap3A_415 = tpu.vector_load %arg6[%swap3A_414] {strides = array<i32>} : memref<128xi32, #tpu.memory_space<vmem>>, vector<16xi32>,
        %swap3A_416 = vector.shape_cast %swap3A_415 : vector<16xi32> to vector<16xi32>
        %swap3A_417 = vector.shape_cast %and3A_413 : vector<16xi32> to vector<16xi32>
        tpu.vector_store %arg6[%swap3A_414], %swap3A_417 {strides = array<i32>} : memref<128xi32, #tpu.memory_space<vmem>>, vector<16xi32>,
        %shift_right_logical3A_418 = arith.constant 14 : i32
        %shift_right_logical3A_419 = vector.broadcast %shift_right_logical3A_418 : i32 to vector<16xi32>
        %shift_right_logical3A_420 = arith.shrui %get3A_410, %shift_right_logical3A_419 : vector<16xi32>
        %swap3A_421 = arith.constant 48 : index
        %swap3A_422 = tpu.vector_load %arg7[%swap3A_421] {strides = array<i32>} : memref<128xi32, #tpu.memory_space<vmem>>, vector<16xi32>,
        %swap3A_423 = vector.shape_cast %swap3A_422 : vector<16xi32> to vector<16xi32>
        %swap3A_424 = vector.shape_cast %shift_right_logical3A_420 : vector<16xi32> to vector<16xi32>
        tpu.vector_store %arg7[%swap3A_421], %swap3A_424 {strides = array<i32>} : memref<128xi32, #tpu.memory_space<vmem>>, vector<16xi32>,
        %get3A_425 = arith.index_cast %add3A_352 : i32 to index
        %get3A_426 = arith.constant 64 : index
        %get3A_427 = tpu.vector_load %arg5[%get3A_425, %get3A_426] {strides = array<i32>} : memref<80x128xi32, #tpu.memory_space<vmem>>, vector<1x16xi32>,
        %get3A_428 = vector.shape_cast %get3A_427 : vector<1x16xi32> to vector<16xi32>
        %and3A_429 = arith.constant 16383 : i32
        %and3A_430 = vector.broadcast %and3A_429 : i32 to vector<16xi32>
        %and3A_431 = arith.andi %get3A_428, %and3A_430 : vector<16xi32>
        %swap3A_432 = arith.constant 64 : index
        %swap3A_433 = tpu.vector_load %arg6[%swap3A_432] {strides = array<i32>} : memref<128xi32, #tpu.memory_space<vmem>>, vector<16xi32>,
        %swap3A_434 = vector.shape_cast %swap3A_433 : vector<16xi32> to vector<16xi32>
        %swap3A_435 = vector.shape_cast %and3A_431 : vector<16xi32> to vector<16xi32>
        tpu.vector_store %arg6[%swap3A_432], %swap3A_435 {strides = array<i32>} : memref<128xi32, #tpu.memory_space<vmem>>, vector<16xi32>,
        %shift_right_logical3A_436 = arith.constant 14 : i32
        %shift_right_logical3A_437 = vector.broadcast %shift_right_logical3A_436 : i32 to vector<16xi32>
        %shift_right_logical3A_438 = arith.shrui %get3A_428, %shift_right_logical3A_437 : vector<16xi32>
        %swap3A_439 = arith.constant 64 : index
        %swap3A_440 = tpu.vector_load %arg7[%swap3A_439] {strides = array<i32>} : memref<128xi32, #tpu.memory_space<vmem>>, vector<16xi32>,
        %swap3A_441 = vector.shape_cast %swap3A_440 : vector<16xi32> to vector<16xi32>
        %swap3A_442 = vector.shape_cast %shift_right_logical3A_438 : vector<16xi32> to vector<16xi32>
        tpu.vector_store %arg7[%swap3A_439], %swap3A_442 {strides = array<i32>} : memref<128xi32, #tpu.memory_space<vmem>>, vector<16xi32>,
        %get3A_443 = arith.index_cast %add3A_352 : i32 to index
        %get3A_444 = arith.constant 80 : index
        %get3A_445 = tpu.vector_load %arg5[%get3A_443, %get3A_444] {strides = array<i32>} : memref<80x128xi32, #tpu.memory_space<vmem>>, vector<1x16xi32>,
        %get3A_446 = vector.shape_cast %get3A_445 : vector<1x16xi32> to vector<16xi32>
        %and3A_447 = arith.constant 16383 : i32
        %and3A_448 = vector.broadcast %and3A_447 : i32 to vector<16xi32>
        %and3A_449 = arith.andi %get3A_446, %and3A_448 : vector<16xi32>
        %swap3A_450 = arith.constant 80 : index
        %swap3A_451 = tpu.vector_load %arg6[%swap3A_450] {strides = array<i32>} : memref<128xi32, #tpu.memory_space<vmem>>, vector<16xi32>,
        %swap3A_452 = vector.shape_cast %swap3A_451 : vector<16xi32> to vector<16xi32>
        %swap3A_453 = vector.shape_cast %and3A_449 : vector<16xi32> to vector<16xi32>
        tpu.vector_store %arg6[%swap3A_450], %swap3A_453 {strides = array<i32>} : memref<128xi32, #tpu.memory_space<vmem>>, vector<16xi32>,
        %shift_right_logical3A_454 = arith.constant 14 : i32
        %shift_right_logical3A_455 = vector.broadcast %shift_right_logical3A_454 : i32 to vector<16xi32>
        %shift_right_logical3A_456 = arith.shrui %get3A_446, %shift_right_logical3A_455 : vector<16xi32>
        %swap3A_457 = arith.constant 80 : index
        %swap3A_458 = tpu.vector_load %arg7[%swap3A_457] {strides = array<i32>} : memref<128xi32, #tpu.memory_space<vmem>>, vector<16xi32>,
        %swap3A_459 = vector.shape_cast %swap3A_458 : vector<16xi32> to vector<16xi32>
        %swap3A_460 = vector.shape_cast %shift_right_logical3A_456 : vector<16xi32> to vector<16xi32>
        tpu.vector_store %arg7[%swap3A_457], %swap3A_460 {strides = array<i32>} : memref<128xi32, #tpu.memory_space<vmem>>, vector<16xi32>,
        %get3A_461 = arith.index_cast %add3A_352 : i32 to index
        %get3A_462 = arith.constant 96 : index
        %get3A_463 = tpu.vector_load %arg5[%get3A_461, %get3A_462] {strides = array<i32>} : memref<80x128xi32, #tpu.memory_space<vmem>>, vector<1x16xi32>,
        %get3A_464 = vector.shape_cast %get3A_463 : vector<1x16xi32> to vector<16xi32>
        %and3A_465 = arith.constant 16383 : i32
        %and3A_466 = vector.broadcast %and3A_465 : i32 to vector<16xi32>
        %and3A_467 = arith.andi %get3A_464, %and3A_466 : vector<16xi32>
        %swap3A_468 = arith.constant 96 : index
        %swap3A_469 = tpu.vector_load %arg6[%swap3A_468] {strides = array<i32>} : memref<128xi32, #tpu.memory_space<vmem>>, vector<16xi32>,
        %swap3A_470 = vector.shape_cast %swap3A_469 : vector<16xi32> to vector<16xi32>
        %swap3A_471 = vector.shape_cast %and3A_467 : vector<16xi32> to vector<16xi32>
        tpu.vector_store %arg6[%swap3A_468], %swap3A_471 {strides = array<i32>} : memref<128xi32, #tpu.memory_space<vmem>>, vector<16xi32>,
        %shift_right_logical3A_472 = arith.constant 14 : i32
        %shift_right_logical3A_473 = vector.broadcast %shift_right_logical3A_472 : i32 to vector<16xi32>
        %shift_right_logical3A_474 = arith.shrui %get3A_464, %shift_right_logical3A_473 : vector<16xi32>
        %swap3A_475 = arith.constant 96 : index
        %swap3A_476 = tpu.vector_load %arg7[%swap3A_475] {strides = array<i32>} : memref<128xi32, #tpu.memory_space<vmem>>, vector<16xi32>,
        %swap3A_477 = vector.shape_cast %swap3A_476 : vector<16xi32> to vector<16xi32>
        %swap3A_478 = vector.shape_cast %shift_right_logical3A_474 : vector<16xi32> to vector<16xi32>
        tpu.vector_store %arg7[%swap3A_475], %swap3A_478 {strides = array<i32>} : memref<128xi32, #tpu.memory_space<vmem>>, vector<16xi32>,
        %get3A_479 = arith.index_cast %add3A_352 : i32 to index
        %get3A_480 = arith.constant 112 : index
        %get3A_481 = tpu.vector_load %arg5[%get3A_479, %get3A_480] {strides = array<i32>} : memref<80x128xi32, #tpu.memory_space<vmem>>, vector<1x16xi32>,
        %get3A_482 = vector.shape_cast %get3A_481 : vector<1x16xi32> to vector<16xi32>
        %and3A_483 = arith.constant 16383 : i32
        %and3A_484 = vector.broadcast %and3A_483 : i32 to vector<16xi32>
        %and3A_485 = arith.andi %get3A_482, %and3A_484 : vector<16xi32>
        %swap3A_486 = arith.constant 112 : index
        %swap3A_487 = tpu.vector_load %arg6[%swap3A_486] {strides = array<i32>} : memref<128xi32, #tpu.memory_space<vmem>>, vector<16xi32>,
        %swap3A_488 = vector.shape_cast %swap3A_487 : vector<16xi32> to vector<16xi32>
        %swap3A_489 = vector.shape_cast %and3A_485 : vector<16xi32> to vector<16xi32>
        tpu.vector_store %arg6[%swap3A_486], %swap3A_489 {strides = array<i32>} : memref<128xi32, #tpu.memory_space<vmem>>, vector<16xi32>,
        %shift_right_logical3A_490 = arith.constant 14 : i32
        %shift_right_logical3A_491 = vector.broadcast %shift_right_logical3A_490 : i32 to vector<16xi32>
        %shift_right_logical3A_492 = arith.shrui %get3A_482, %shift_right_logical3A_491 : vector<16xi32>
        %swap3A_493 = arith.constant 112 : index
        %swap3A_494 = tpu.vector_load %arg7[%swap3A_493] {strides = array<i32>} : memref<128xi32, #tpu.memory_space<vmem>>, vector<16xi32>,
        %swap3A_495 = vector.shape_cast %swap3A_494 : vector<16xi32> to vector<16xi32>
        %swap3A_496 = vector.shape_cast %shift_right_logical3A_492 : vector<16xi32> to vector<16xi32>
        tpu.vector_store %arg7[%swap3A_493], %swap3A_496 {strides = array<i32>} : memref<128xi32, #tpu.memory_space<vmem>>, vector<16xi32>,
        %dma_start3A_497 = arith.constant 0 : i32
        %dma_start3A_498 = arith.constant 0 : i32
        %dma_start3A_499 = tpu.memref_slice %arg2[%dma_start3A_497, %dma_start3A_498] : memref<10112x128xf32, #tpu.memory_space<hbm>> -> memref<10112x128xf32, #tpu.memory_space<hbm>>
        tpu.enqueue_indirect_dma source(%dma_start3A_499 : memref<10112x128xf32, #tpu.memory_space<hbm>>) target(%arg8 : memref<128x128xf32, #tpu.memory_space<vmem>>) offsets(%arg6 : memref<128xi32, #tpu.memory_space<vmem>>) semaphore(%arg12 : memref<!tpu.dma_semaphore, #tpu.memory_space<semaphore_mem>>)
      } else {
      }
      %dma_wait3A_346 = arith.constant 0 : i32
      %dma_wait3A_347 = arith.constant 0 : i32
      %dma_wait3A_348 = tpu.memref_slice %arg2[%dma_wait3A_346, %dma_wait3A_347] : memref<10112x128xf32, #tpu.memory_space<hbm>> -> memref<10112x128xf32, #tpu.memory_space<hbm>>
      tpu.wait_indirect_dma semaphore(%arg13 : memref<!tpu.dma_semaphore, #tpu.memory_space<semaphore_mem>>) src(%dma_wait3A_348 : memref<10112x128xf32, #tpu.memory_space<hbm>>) dst(%arg11 : memref<128x128xf32, #tpu.memory_space<vmem>>)
      "tpu.region"() ({
        %run_scoped3A = tpu.sem_alloc : memref<!tpu.dma_semaphore, #tpu.memory_space<semaphore_mem>>
        %dma_start3A_349 = arith.constant 0 : i32
        %dma_start3A_350 = arith.constant 0 : i32
        %dma_start3A_351 = tpu.memref_slice %arg14[%dma_start3A_349, %dma_start3A_350] : memref<10112x128xf32, #tpu.memory_space<vmem_shared>> -> memref<10112x128xf32, #tpu.memory_space<vmem_shared>>
        tpu.enqueue_indirect_dma source(%arg11 : memref<128x128xf32, #tpu.memory_space<vmem>>) target(%dma_start3A_351 : memref<10112x128xf32, #tpu.memory_space<vmem_shared>>) offsets(%arg10 : memref<128xi32, #tpu.memory_space<vmem>>) semaphore(%run_scoped3A : memref<!tpu.dma_semaphore, #tpu.memory_space<semaphore_mem>>) {add = true}
        %dma_wait3A_352 = arith.constant 0 : i32
        %dma_wait3A_353 = arith.constant 0 : i32
        %dma_wait3A_354 = tpu.memref_slice %arg14[%dma_wait3A_352, %dma_wait3A_353] : memref<10112x128xf32, #tpu.memory_space<vmem_shared>> -> memref<10112x128xf32, #tpu.memory_space<vmem_shared>>
        tpu.wait_indirect_dma semaphore(%run_scoped3A : memref<!tpu.dma_semaphore, #tpu.memory_space<semaphore_mem>>) src(%arg11 : memref<128x128xf32, #tpu.memory_space<vmem>>) dst(%dma_wait3A_354 : memref<10112x128xf32, #tpu.memory_space<vmem_shared>>)
        tpu.yield
      }) : () -> ()
    }
    %scan3A_182 = arith.constant 40 : i32
    %barrier3A_183 = arith.constant 0 : index
    tpu.barrier barrier_id(%barrier3A_183)
    %mul3A_184 = arith.constant 632 : i32
    %mul3A_185 = arith.muli %arg1, %mul3A_184 : i32
    %mul3A_186 = arith.constant 632 : i32
    %mul3A_187 = arith.muli %arg1, %mul3A_186 : i32
    "tpu.region"() ({
      %run_scoped3A = tpu.sem_alloc : memref<!tpu.dma_semaphore, #tpu.memory_space<semaphore_mem>>
      %dma_start3A_188 = arith.constant 0 : i32
      %dma_start3A_189 = tpu.memref_slice %arg4[%arg0, %mul3A_187, %dma_start3A_188] : memref<2x10112x128xf32, #tpu.memory_space<hbm>> -> memref<1x632x128xf32, #tpu.memory_space<hbm>>
      %dma_start3A_190 = tpu.memref_squeeze %dma_start3A_189 : memref<1x632x128xf32, #tpu.memory_space<hbm>> -> memref<632x128xf32, #tpu.memory_space<hbm>>
      %dma_start3A_191 = arith.constant 0 : i32
      %dma_start3A_192 = tpu.memref_slice %arg14[%mul3A_185, %dma_start3A_191] : memref<10112x128xf32, #tpu.memory_space<vmem_shared>> -> memref<632x128xf32, #tpu.memory_space<vmem_shared>>
      tpu.enqueue_dma source(%dma_start3A_192 : memref<632x128xf32, #tpu.memory_space<vmem_shared>>) target(%dma_start3A_190 : memref<632x128xf32, #tpu.memory_space<hbm>>) target_semaphore(%run_scoped3A : memref<!tpu.dma_semaphore, #tpu.memory_space<semaphore_mem>>)
      %dma_wait3A = arith.constant 0 : i32
      %dma_wait3A_193 = tpu.memref_slice %arg4[%arg0, %mul3A_187, %dma_wait3A] : memref<2x10112x128xf32, #tpu.memory_space<hbm>> -> memref<1x632x128xf32, #tpu.memory_space<hbm>>
      %dma_wait3A_194 = tpu.memref_squeeze %dma_wait3A_193 : memref<1x632x128xf32, #tpu.memory_space<hbm>> -> memref<632x128xf32, #tpu.memory_space<hbm>>
      %dma_wait3A_195 = arith.constant 0 : i32
      %dma_wait3A_196 = tpu.memref_slice %arg14[%mul3A_185, %dma_wait3A_195] : memref<10112x128xf32, #tpu.memory_space<vmem_shared>> -> memref<632x128xf32, #tpu.memory_space<vmem_shared>>
      tpu.wait_dma2 semaphore(%run_scoped3A : memref<!tpu.dma_semaphore, #tpu.memory_space<semaphore_mem>>) src(%dma_wait3A_196 : memref<632x128xf32, #tpu.memory_space<vmem_shared>>) dst(%dma_wait3A_194 : memref<632x128xf32, #tpu.memory_space<hbm>>)
      tpu.yield
    }) : () -> ()
    return
  }
}

module attributes {stable_mosaic.version = 14 : i64} {
  func.func @_t1_body(%arg0: i32, %arg1: memref<2x2528x16xf32, #tpu.memory_space<vmem>>, %arg2: memref<2528x128xf32, #tpu.memory_space<vmem>>, %arg3: memref<2528x128xf32, #tpu.memory_space<vmem>>, %arg4: memref<2528x1xf32, #tpu.memory_space<vmem>>) attributes {dimension_semantics = [#tpu.dimension_semantics<arbitrary>], iteration_bounds = array<i64: 4>, scalar_prefetch = 0 : i64, scratch_operands = 0 : i64, tpu.core_type = #tpu.core_type<tc>, window_params = [{transform_indices = @transform_0, window_bounds = array<i64: 2, 2528, 16>}, {transform_indices = @transform_1, window_bounds = array<i64: 2528, 128>}, {transform_indices = @transform_2, window_bounds = array<i64: 2528, 128>}, {transform_indices = @transform_3, window_bounds = array<i64: 2528, 1>}]} {
    %get3A = arith.constant 0 : index
    %get3A_0 = arith.constant 0 : index
    %get3A_1 = arith.constant 0 : index
    %get3A_2 = vector.load %arg1[%get3A, %get3A_0, %get3A_1] : memref<2x2528x16xf32, #tpu.memory_space<vmem>>, vector<2x2528x16xf32>
    %reduce_sum3A = arith.constant dense<0.000000e+00> : vector<2528xf32>
    %reduce_sum3A_3 = vector.multi_reduction <add>, %get3A_2, %reduce_sum3A [0, 2] : vector<2x2528x16xf32> to vector<2528xf32>
    %rsqrt3A = math.rsqrt %reduce_sum3A_3 : vector<2528xf32>
    %broadcast_in_dim3A = vector.shape_cast %rsqrt3A : vector<2528xf32> to vector<2528x1xf32>
    %swap3A = arith.constant 0 : index
    %swap3A_4 = arith.constant 0 : index
    %swap3A_5 = vector.load %arg4[%swap3A, %swap3A_4] : memref<2528x1xf32, #tpu.memory_space<vmem>>, vector<2528x1xf32>
    tpu.vector_store %arg4[%swap3A, %swap3A_4], %broadcast_in_dim3A {strides = array<i32>} : memref<2528x1xf32, #tpu.memory_space<vmem>>, vector<2528x1xf32>,
    %get3A_6 = arith.constant 0 : index
    %get3A_7 = arith.constant 0 : index
    %get3A_8 = vector.load %arg2[%get3A_6, %get3A_7] : memref<2528x128xf32, #tpu.memory_space<vmem>>, vector<2528x128xf32>
    %mul3A = vector.broadcast %broadcast_in_dim3A : vector<2528x1xf32> to vector<2528x128xf32>
    %mul3A_9 = arith.mulf %get3A_8, %mul3A : vector<2528x128xf32>
    %swap3A_10 = arith.constant 0 : index
    %swap3A_11 = arith.constant 0 : index
    %swap3A_12 = vector.load %arg3[%swap3A_10, %swap3A_11] : memref<2528x128xf32, #tpu.memory_space<vmem>>, vector<2528x128xf32>
    tpu.vector_store %arg3[%swap3A_10, %swap3A_11], %mul3A_9 {strides = array<i32>} : memref<2528x128xf32, #tpu.memory_space<vmem>>, vector<2528x128xf32>,
    return
  }
  func.func @transform_0(%arg0: i32) -> (i32, i32, i32) {
    %c0_i32 = arith.constant 0 : i32
    %c0_i32_0 = arith.constant 0 : i32
    %c0_i32_1 = arith.constant 0 : i32
    return %c0_i32, %arg0, %c0_i32_0 : i32, i32, i32
  }
  func.func @transform_1(%arg0: i32) -> (i32, i32) {
    %c0_i32 = arith.constant 0 : i32
    %c0_i32_0 = arith.constant 0 : i32
    return %arg0, %c0_i32 : i32, i32
  }
  func.func @transform_2(%arg0: i32) -> (i32, i32) {
    %c0_i32 = arith.constant 0 : i32
    %c0_i32_0 = arith.constant 0 : i32
    return %arg0, %c0_i32 : i32, i32
  }
  func.func @transform_3(%arg0: i32) -> (i32, i32) {
    %c0_i32 = arith.constant 0 : i32
    %c0_i32_0 = arith.constant 0 : i32
    return %arg0, %c0_i32 : i32, i32
  }
}

module attributes {stable_mosaic.version = 14 : i64} {
  func.func @_t2_body(%arg0: i32, %arg1: memref<2x2000x128xf32, #tpu.memory_space<vmem>>, %arg2: memref<2000x1xf32, #tpu.memory_space<vmem>>, %arg3: memref<2000x128xf32, #tpu.memory_space<vmem>>) attributes {dimension_semantics = [#tpu.dimension_semantics<arbitrary>], iteration_bounds = array<i64: 5>, scalar_prefetch = 0 : i64, scratch_operands = 0 : i64, tpu.core_type = #tpu.core_type<tc>, window_params = [{transform_indices = @transform_0, window_bounds = array<i64: 2, 2000, 128>}, {transform_indices = @transform_1, window_bounds = array<i64: 2000, 1>}, {transform_indices = @transform_2, window_bounds = array<i64: 2000, 128>}]} {
    %get3A = arith.constant 0 : index
    %get3A_0 = arith.constant 0 : index
    %get3A_1 = vector.load %arg2[%get3A, %get3A_0] : memref<2000x1xf32, #tpu.memory_space<vmem>>, vector<2000x1xf32>
    %get3A_2 = arith.constant 0 : index
    %get3A_3 = arith.constant 0 : index
    %get3A_4 = arith.constant 0 : index
    %get3A_5 = vector.load %arg1[%get3A_2, %get3A_3, %get3A_4] : memref<2x2000x128xf32, #tpu.memory_space<vmem>>, vector<1x2000x128xf32>
    %get3A_6 = vector.shape_cast %get3A_5 : vector<1x2000x128xf32> to vector<2000x128xf32>
    %get3A_7 = arith.constant 1 : index
    %get3A_8 = arith.constant 0 : index
    %get3A_9 = arith.constant 0 : index
    %get3A_10 = vector.load %arg1[%get3A_7, %get3A_8, %get3A_9] : memref<2x2000x128xf32, #tpu.memory_space<vmem>>, vector<1x2000x128xf32>
    %get3A_11 = vector.shape_cast %get3A_10 : vector<1x2000x128xf32> to vector<2000x128xf32>
    %add3A = arith.addf %get3A_6, %get3A_11 : vector<2000x128xf32>
    %mul3A = vector.broadcast %get3A_1 : vector<2000x1xf32> to vector<2000x128xf32>
    %mul3A_12 = arith.mulf %add3A, %mul3A : vector<2000x128xf32>
    %max3A = arith.constant 0.000000e+00 : f32
    %max3A_13 = vector.broadcast %max3A : f32 to vector<2000x128xf32>
    %max3A_14 = arith.maximumf %mul3A_12, %max3A_13 : vector<2000x128xf32>
    %swap3A = arith.constant 0 : index
    %swap3A_15 = arith.constant 0 : index
    %swap3A_16 = vector.load %arg3[%swap3A, %swap3A_15] : memref<2000x128xf32, #tpu.memory_space<vmem>>, vector<2000x128xf32>
    tpu.vector_store %arg3[%swap3A, %swap3A_15], %max3A_14 {strides = array<i32>} : memref<2000x128xf32, #tpu.memory_space<vmem>>, vector<2000x128xf32>,
    return
  }
  func.func @transform_0(%arg0: i32) -> (i32, i32, i32) {
    %c0_i32 = arith.constant 0 : i32
    %c0_i32_0 = arith.constant 0 : i32
    %c0_i32_1 = arith.constant 0 : i32
    return %c0_i32, %arg0, %c0_i32_0 : i32, i32, i32
  }
  func.func @transform_1(%arg0: i32) -> (i32, i32) {
    %c0_i32 = arith.constant 0 : i32
    %c0_i32_0 = arith.constant 0 : i32
    return %arg0, %c0_i32 : i32, i32
  }
  func.func @transform_2(%arg0: i32) -> (i32, i32) {
    %c0_i32 = arith.constant 0 : i32
    %c0_i32_0 = arith.constant 0 : i32
    return %arg0, %c0_i32 : i32, i32
  }
}

</mosaic_0001>

<sc_bundles>
// kernel: kernel.6.cloned.1.call-start
scs
__scs_entry_jumppad:
0x0: {  	(pc) =	sbr.rel $0x88, $3  }
0x1: {  	(tag) =	ssettag $0x0;
	lr =	simm.s32 $0x1  }
0x2: {  	[smem:$0x3F9F] =	sst lr;
	_ =	strace $0xD0000000  }
0x3: {  	_ = 	snop  }
0x4: {  	_ = 	snop  }
0x5: {  	_ = 	snop  }
0x6: {  	_ = 	snop  }
0x7: {  	_ = 	snop  }
__scs_overlays_trampoline_lowered:
0x8: {  	[smem:$0x3FAE] =	sst s0  }
0x9: {  	[smem:$0x3FAF] =	sst s1  }
0xa: {  	[smem:$0x3FB0] =	sst s2  }
0xb: {  	[smem:$0x3FB1] =	sst s3  }
0xc: {  	[smem:$0x3FB2] =	sst s4  }
0xd: {  	[smem:$0x3FB3] =	sst s5  }
0xe: {  	[smem:$0x3FB4] =	sst s6  }
0xf: {  	[smem:$0x3FB5] =	sst s7  }
0x10: {  	[smem:$0x3FB6] =	sst s8  }
0x11: {  	[smem:$0x3FB7] =	sst s9;
	s0 =	simm.s32 @!p0 $0x0  }
0x12: {  	s1 =	sld [smem:$0x3F9D];
	s0 =	simm.s32 @p0 $0x1  }
0x13: {  	[smem:$0x3FB8] =	sst s0;
	s0 =	simm.s32 @!p1 $0x0  }
0x14: {  	s2 =	sld [smem:$0x3F9C];
	s0 =	simm.s32 @p1 $0x1  }
0x15: {  	[smem:$0x3FB9] =	sst s0;
	s0 =	simm.s32 @!p2 $0x0  }
0x16: {  	s3 =	sld [smem:$0x3FDB];
	s0 =	simm.s32 @p2 $0x1  }
0x17: {  	s4 =	simm.s32 $0x1BF5;
	[smem:$0x3FBB] =	sst s0  }
0x18: {  	s0 =	sld [smem:$0x3F9E];
	_ =	swait.ge [sflag:s4], $0x0  }
0x19: {  	s7 =	sld [smem:$0x3F9F]  }
0x1a: {  	s8 =	sadd.s32 $0xFFFFE003, lr  }
0x1b: {  	s9 =	sadd.s32 $0xFFFFFEF7, lr;
	s5 =	simm.s32 $0xFFFFFFFF;
	p2 =	slt.u32 s8, $0xFFFFF086  }
0x1c: {  	p1 =	slt.u32 s9, $0xF7A;
	s5 =	simm.s32 @!p2 $0x0  }
0x1d: {  	s5 =	simm.s32 @p1 $0x1;
	p0 =	seq.s32 s7, s2  }
0x1e: {  	s7 =	smul.u32 @!p0 $0xF7A, s2;
	p2 =	seq.s32 @!p0 s5, $0x0  }
0x1f: {  	s9 =	smul.u32 $0xF7A, s1;
	s8 =	simm.s32 @!p0 $0x1BF5;
	p2 =	por !p2, p0  }
0x20: {  	[sflag:s8] =	ssyncset.s32 @!p0 $0xFFFFF086;
	s6 =	sadd.s32 @!p0 s3, s7;
	s7 =	simm.s32 @!p0 $0x108  }
0x21: {  	s3 =	sadd.s32 s3, s9;
	s6 =	sadd.s32 @!p0 $0x88, s6;
	s7 =	simm.s32 @p2 $0x1082  }
0x22: {  	[simem:s7], [sflag:s8] =	dma.local @!p0 [hbm:s6], $0xF7A  }
0x23: {  	s9 =	sor.u32 $0xD0000000, s2;
	s6 =	simm.s32 $0x108;
	_ =	swait.ge @!p0 [sflag:s8], $0x0  }
0x24: {  	s3 =	sadd.s32 $0x88, s3;
	s6 =	simm.s32 @!p1 $0x1082;
	[sflag:s4] =	ssyncset.s32 $0xFFFFF086  }
0x25: {  	[simem:s6], [sflag:s4] =	dma.local [hbm:s3], $0xF7A  }
0x26: {  	[smem:$0x3F9F] =	sst s1;
	(tag) =	ssettag s2;
	_ =	strace s9  }
0x27: {  	s1 =	sld [smem:$0x3FAF]  }
0x28: {  	s2 =	sld [smem:$0x3FB0]  }
0x29: {  	s4 =	sld [smem:$0x3FB2]  }
0x2a: {  	p0 =	seq.s32 s5, $0x0;
	s5 =	sld [smem:$0x3FB3]  }
0x2b: {  	s6 =	sld [smem:$0x3FB4]  }
0x2c: {  	s7 =	sld [smem:$0x3FB5]  }
0x2d: {  	s3 =	simm.s32 $0x108;
	s8 =	sld [smem:$0x3FB6]  }
0x2e: {  	s3 =	simm.s32 @!p0 $0x1082;
	s9 =	sld [smem:$0x3FB7]  }
0x2f: {  	lr =	sadd.s32 s0, s3;
	s0 =	sld [smem:$0x3FAE]  }
0x30: {  	s3 =	sld [smem:$0x3FB1]  }
0x31: {  	[smem:$0x3FBA] =	sst s10  }
0x32: {  	s10 =	sld [smem:$0x3FB8];
	_ =	sdelay $0x3  }
0x33: {  	p0 =	seq.s32 s10, $0x1;
	s10 =	sld [smem:$0x3FBA];
	_ =	sdelay $0x3  }
0x34: {  	[smem:$0x3FBA] =	sst s10  }
0x35: {  	s10 =	sld [smem:$0x3FB9];
	_ =	sdelay $0x3  }
0x36: {  	p1 =	seq.s32 s10, $0x1;
	s10 =	sld [smem:$0x3FBA];
	_ =	sdelay $0x3  }
0x37: {  	[smem:$0x3FBA] =	sst s10  }
0x38: {  	s10 =	sld [smem:$0x3FBB]  }
0x39: {  	_ = 	snop;
	(pc) =	sbr.ind lr, $3  }
0x3a: {  	_ = 	snop  }
0x3b: {  	_ = 	snop  }
0x3c: {  	p2 =	seq.s32 s10, $0x1;
	s10 =	sld [smem:$0x3FBA]  }
0x3d: {  	_ =	shalt  }
0x3e: {  	_ =	shalt  }
0x3f: {  	_ =	shalt  }
0x40: {  	_ =	shalt  }
0x41: {  	_ =	shalt  }
0x42: {  	_ =	shalt  }
0x43: {  	_ =	shalt  }
0x44: {  	_ =	shalt  }
0x45: {  	_ =	shalt  }
0x46: {  	_ =	shalt  }
0x47: {  	_ =	shalt  }
0x48: {  	_ =	shalt  }
0x49: {  	_ =	shalt  }
0x4a: {  	_ =	shalt  }
0x4b: {  	_ =	shalt  }
0x4c: {  	_ =	shalt  }
0x4d: {  	_ =	shalt  }
0x4e: {  	_ =	shalt  }
0x4f: {  	_ =	shalt  }
0x50: {  	_ =	shalt  }
0x51: {  	_ =	shalt  }
0x52: {  	_ =	shalt  }
0x53: {  	_ =	shalt  }
0x54: {  	_ =	shalt  }
0x55: {  	_ =	shalt  }
0x56: {  	_ =	shalt  }
0x57: {  	_ =	shalt  }
0x58: {  	_ =	shalt  }
0x59: {  	_ =	shalt  }
0x5a: {  	_ =	shalt  }
0x5b: {  	_ =	shalt  }
0x5c: {  	_ =	shalt  }
0x5d: {  	_ =	shalt  }
0x5e: {  	_ =	shalt  }
0x5f: {  	_ =	shalt  }
0x60: {  	_ =	shalt  }
0x61: {  	_ =	shalt  }
0x62: {  	_ =	shalt  }
0x63: {  	_ =	shalt  }
0x64: {  	_ =	shalt  }
0x65: {  	_ =	shalt  }
0x66: {  	_ =	shalt  }
0x67: {  	_ =	shalt  }
0x68: {  	_ =	shalt  }
0x69: {  	_ =	shalt  }
0x6a: {  	_ =	shalt  }
0x6b: {  	_ =	shalt  }
0x6c: {  	_ =	shalt  }
0x6d: {  	_ =	shalt  }
0x6e: {  	_ =	shalt  }
0x6f: {  	_ =	shalt  }
0x70: {  	_ =	shalt  }
0x71: {  	_ =	shalt  }
0x72: {  	_ =	shalt  }
0x73: {  	_ =	shalt  }
0x74: {  	_ =	shalt  }
0x75: {  	_ =	shalt  }
0x76: {  	_ =	shalt  }
0x77: {  	_ =	shalt  }
0x78: {  	_ =	shalt  }
0x79: {  	_ =	shalt  }
0x7a: {  	_ =	shalt  }
0x7b: {  	_ =	shalt  }
0x7c: {  	_ =	shalt  }
0x7d: {  	_ =	shalt  }
0x7e: {  	_ =	shalt  }
0x7f: {  	_ =	shalt  }
0x80: {  	_ =	shalt  }
0x81: {  	_ =	shalt  }
0x82: {  	_ =	shalt  }
0x83: {  	_ =	shalt  }
0x84: {  	_ =	shalt  }
0x85: {  	_ =	shalt  }
0x86: {  	_ =	shalt  }
0x87: {  	_ =	shalt  }
.Lfunc_end0:
.L_simem_size_0:
called_computation_lowered:
.L_overlay_start_0:
0x88: {  	s2 =	sld [smem:$0x3FD9]  }
0x89: {  	s3 =	sld [smem:$0x3FFE];
	_ =	sdelay $0x1  }
0x8a: {  	s1 =	srdreg.scid  }
0x8b: {  	s0 =	sand.u32 $0x1, s1  }
0x8c: {  	s17 =	sshll.u32 s0, $0xA;
	s2 =	sadd.s32 s3, s2  }
0x8d: {  	s2 =	sadd.s32 s2, s17  }
0x8e: {  	[smem:$0x3FC6] =	sst s2  }
0x8f: {  	_ = 	snop  }
0x90: {  	s2 =	sld [smem:$0x3FD0];
	(tm) =	ssettm $0x1  }
0x91: {  	s18 =	sld [smem:$0x3FFB];
	_ =	sdelay $0x3  }
0x92: {  	_ =	strace s18  }
0x93: {  	s3 =	sld [smem:$0x3FFC];
	_ =	sdelay $0x3  }
0x94: {  	_ =	strace s3  }
0x95: {  	s3 =	sld [smem:$0x3FFD];
	_ =	sdelay $0x3  }
0x96: {  	_ =	strace s3  }
0x97: {  	_ =	strace $0x8FFFFFFF  }
0x98: {  	s19 =	sld [smem:$0x3FDB];
	_ =	sdelay $0x1  }
0x99: {  	s4 =	simm.s32 $_scs_section_size  }
0x9a: {  	s5 =	simm.s32 $_size__tile_overlayer_lowered;
	s6 =	simm.s32 $_tile_overlayer_lowered  }
0x9b: {  	s22 =	simm.s32 $0x1BFF;
	s21 =	sshll.u32 s6, $0x1;
	s3 =	sadd.s32 s4, s19  }
0x9c: {  	s7 =	simm.s32 $0x0;
	s20 =	sshll.u32 s5, $0x1;
	s5 =	sadd.s32 s21, s3  }
0x9d: {  	[timem:s7], [sflag:s22] =	dma.local [hbm:s5], s20  }
0x9e: {  	_ =	swait.ge [sflag:s22], s20  }
0x9f: {  	s4 =	ssub.s32 $0x0, s20;
	[sflag:s22] =	ssyncset.done $0x0  }
0xa0: {  	[sflag:s22] =	ssyncadd.s32 s4;
	_ =	sdelay $0x1  }
0xa1: {  	s23 =	simm.s32 $0x1B8B  }
0xa2: {  	_ =	swait.ge [sflag:s23], $0x1  }
0xa3: {  	[sflag:s23] =	ssyncset.done $0x0  }
0xa4: {  	s25 =	simm.s32 $0x1B8E;
	s24 =	sld [smem:$0x3FFE];
	[sflag:s23] =	ssyncadd.s32 $0xFFFFFFFF  }
0xa5: {  	s26 =	simm.s32 $execute0_lowered;
	[smem:$0x3FD2] =	sst s25  }
0xa6: {  	s5 =	sshll.u32 s26, $0x1;
	_ =	strace $0x80000046;
	[dreg:$0x1] =	wrdreg $0xFFFFFFFF  }
0xa7: {  	s28 =	simm.s32 $_size_execute0_lowered;
	s3 =	sadd.s32 s3, s5;
	[dreg:$0x0] =	wrdreg $0x0  }
0xa8: {  	s5 =	sshll.u32 s28, $0x1;
	[dreg:$0x2] =	wrdreg s3  }
0xa9: {  	[dreg:$0x3] =	wrdreg s5  }
0xaa: {  	[dreg:$0x4] =	wrdreg $0xC0  }
0xab: {  	_ =	task [dreg:s7], $0x5FFFF  }
0xac: {  	[dreg:$0x1] =	wrdreg $0xFFFFFFFF  }
0xad: {  	[dreg:$0x0] =	wrdreg $0x60  }
0xae: {  	[dreg:$0x2] =	wrdreg s2  }
0xaf: {  	[dreg:$0x3] =	wrdreg s24  }
0xb0: {  	[dreg:$0x4] =	wrdreg $0x90800  }
0xb1: {  	[dreg:$0x5] =	wrdreg $0x9  }
0xb2: {  	_ =	task.clear_ibuf [dreg:s7], $0x6FFFF;
	_ =	strace $0x90000046  }
0xb3: {  	s29 =	simm.s32 $0x9;
	_ =	strace $0x80000048  }
0xb4: {  	_ =	swait.ge [sflag:s29], $0x1  }
0xb5: {  	[sflag:s29] =	ssyncadd.s32 $0xFFFFFFFF  }
0xb6: {  	_ =	strace $0x90000048  }
0xb7: {  	_ =	sfence  }
0xb8: {  	s30 =	sld [smem:$0x0];
	_ =	sdelay $0x2  }
0xb9: {  	s31 =	sshll.u32 s1, $0xD;
	s1 =	sshrl.u32 s1, $0x2  }
0xba: {  	s3 =	sand.u32 $0x4000, s31;
	s1 =	sadd.s32 s1, s30  }
0xbb: {  	s0 =	sor.u32 s3, s0;
	s1 =	sshll.u32 s1, $0x11  }
0xbc: {  	s0 =	sor.u32 s1, s0  }
0xbd: {  	s0 =	sadd.s32 $0x8F2B, s0  }
0xbe: {  	[sflag:s0] =	ssyncadd.remote.s32 $0x1  }
0xbf: {  	_ =	sfence.sel $0xFFFF  }
0xc0: {  	[dreg:$0x0] =	wrdreg $0xFFFFFFFF;
	(pc) =	sbr.abs _section_cstart, $3  }
0xc1: {  	[dreg:$0x1] =	wrdreg $0xFFFFFFFF  }
0xc2: {  	_ =	task.clear_ibuf [dreg:s7], $0x2FFFF;
	_ =	strace $0x9FFFFFFF  }
0xc3: {  	(tm) =	ssettm $0x7FFFFFFF  }
tec
execute0_lowered:
.L_overlay_start_1:
0x0: {  	(tag) =	ssettag $0x1  }
0x1: {  	s12 =	rddreg [dreg:$0x0]  }
0x2: {  	s4 =	rddreg [dreg:$0x1]  }
0x3: {  	s2 =	rddreg [dreg:$0x2]  }
0x4: {  	s0 =	srdreg.scid;
	s1 =	rddreg [dreg:$0x3];
	s3 =	simm.s32 $0x0  }
0x5: {  	s16 =	simm.s32 $0x1;
	s17 =	simm.s32 $0x80;
	s5 =	sand.u32 $0x1, s0  }
0x6: {  	s18 =	simm.s32 $0x2800;
	s0 =	stileid.u32;
	s6 =	smul.u32 $0x13C000, s5  }
0x7: {  	s19 =	simm.s32 $0x2880;
	[smem:$0x7FF] =	sst s3;
	s7 =	smul.u32 $0x13C00, s0  }
0x8: {  	s28 =	smul.u32 $0x4F000, s0;
	_ =	strace $0x80000047;
	s29 =	ssub.s32 $0x2, s5  }
0x9: {  	s5 =	sshll.u32 s5, $0x4;
	s20 =	sshll.u32 s0, $0x6;
	s31 =	sshrl.u32 s29, $0x1  }
0xa: {  	s8 =	sor.u32 s0, s5;
	s20 =	sor.u32 $0x1C01, s20;
	s6 =	sadd.s32 s7, s6  }
0xb: {  	s14 =	ssub.s32 s29, s31;
	s15 =	smul.u32 $0x500, s8;
	s6 =	sshrl.u32 s6, $0x3  }
0xc: {  	s30 =	sshrl.u32 s28, $0x2;
	s14 =	smax.u32 s14, $0x1;
	s13 =	sadd.s32 s6, s4  }
0xd: {  	s4 =	sadd.s32 s30, s2;
	s12 =	sadd.s32 s12, s15;
	s15 =	simm.s32 $0x6880  }
0xe: {  	s5 =	sadd.s32 $0x2780, s4;
	s6 =	sadd.s32 $0x4F00, s4;
	s7 =	sadd.s32 $0x7680, s4  }
0xf: {  	v0 =	vimm.f32 $0.0e+00;
	vm0 =	vcmask $0x300;
	s8 =	sadd.s32 $0x9E00, s4;
	s9 =	sadd.s32 $0xC580, s4;
	s10 =	sadd.s32 $0xED00, s4  }
0x10: {  	v1 =	vsel vm0, $0x3F800000, v0;
	s11 =	sadd.s32 $0x11480, s4;
	s13 =	sadd.s32 $0x1200, s13;
	s21 =	sshrl.u32 s4, $0x3  }
.LBB2_1:
0x11: {  	s22 =	simm.s32 $0x0  }
.LBB2_2:
0x12: {  	p0 =	sne.s32 s22, $0xFE00  }
.Ltmp0:
0x13: {  	_ = 	snop;
	(pc) =	sbr.rel @p0 .LBB2_2-.Ltmp0, $3  }
0x14: {  	_ =	sdelay $0x1  }
0x15: {  	s23 =	sshra.s32 s22, $0x2  }
0x16: {  	s22 =	sadd.s32 $0x200, s22;
	[tilespmem:s23+$0x2880] =	vst v1  }
0x17: {  	s22 =	simm.s32 $0x200;
	s23 =	simm.s32 $0x0  }
.LBB2_4:
0x18: {  	p0 =	sne.s32 s22, $0x9C00;
	[tilespmem:s23+$0x6880] =	vst v0;
	s23 =	smov.u32 s22;
	s22 =	sadd.s32 $0x200, s22  }
.Ltmp1:
0x19: {  	(pc) =	sbr.rel @p0 .LBB2_4-.Ltmp1, $2  }
0x1a: {  	_ =	sdelay $0x2  }
0x1b: {  	s23 =	sshra.s32 s23, $0x2  }
0x1c: {  	[tilespmem:s23+$0x6880] =	vst v0  }
0x1d: {  	[spmem:s4] =	stream.linear.scatter [tilespmem:s15], [sflag:$0x1], $0x2780, $0x38;
	[tilespmem:$0xB800] =	vst v63  }
0x1e: {  	_ =	swait.ge [sflag:s16], $0x2780  }
0x1f: {  	[sflag:s16] =	ssyncset.done $0x0  }
0x20: {  	[sflag:s16] =	ssyncadd.s32 $0xFFFFD880  }
0x21: {  	[spmem:s5] =	stream.linear.scatter [tilespmem:s15], [sflag:$0x1], $0x2780, $0x38;
	[tilespmem:$0xB800] =	vst v63  }
0x22: {  	_ =	swait.ge [sflag:s16], $0x2780  }
0x23: {  	[sflag:s16] =	ssyncset.done $0x0  }
0x24: {  	[sflag:s16] =	ssyncadd.s32 $0xFFFFD880  }
0x25: {  	[spmem:s6] =	stream.linear.scatter [tilespmem:s15], [sflag:$0x1], $0x2780, $0x38;
	[tilespmem:$0xB800] =	vst v63  }
0x26: {  	_ =	swait.ge [sflag:s16], $0x2780  }
0x27: {  	[sflag:s16] =	ssyncset.done $0x0  }
0x28: {  	[sflag:s16] =	ssyncadd.s32 $0xFFFFD880  }
0x29: {  	[spmem:s7] =	stream.linear.scatter [tilespmem:s15], [sflag:$0x1], $0x2780, $0x38;
	[tilespmem:$0xB800] =	vst v63  }
0x2a: {  	_ =	swait.ge [sflag:s16], $0x2780  }
0x2b: {  	[sflag:s16] =	ssyncset.done $0x0  }
0x2c: {  	[sflag:s16] =	ssyncadd.s32 $0xFFFFD880  }
0x2d: {  	[spmem:s8] =	stream.linear.scatter [tilespmem:s15], [sflag:$0x1], $0x2780, $0x38;
	[tilespmem:$0xB800] =	vst v63  }
0x2e: {  	_ =	swait.ge [sflag:s16], $0x2780  }
0x2f: {  	[sflag:s16] =	ssyncset.done $0x0  }
0x30: {  	[sflag:s16] =	ssyncadd.s32 $0xFFFFD880  }
0x31: {  	[spmem:s9] =	stream.linear.scatter [tilespmem:s15], [sflag:$0x1], $0x2780, $0x38;
	[tilespmem:$0xB800] =	vst v63  }
0x32: {  	_ =	swait.ge [sflag:s16], $0x2780  }
0x33: {  	[sflag:s16] =	ssyncset.done $0x0  }
0x34: {  	[sflag:s16] =	ssyncadd.s32 $0xFFFFD880  }
0x35: {  	[spmem:s10] =	stream.linear.scatter [tilespmem:s15], [sflag:$0x1], $0x2780, $0x38;
	[tilespmem:$0xB800] =	vst v63  }
0x36: {  	_ =	swait.ge [sflag:s16], $0x2780  }
0x37: {  	[sflag:s16] =	ssyncset.done $0x0  }
0x38: {  	[sflag:s16] =	ssyncadd.s32 $0xFFFFD880  }
0x39: {  	[spmem:s11] =	stream.linear.scatter [tilespmem:s15], [sflag:$0x1], $0x2780, $0x38;
	[tilespmem:$0xB800] =	vst v63  }
0x3a: {  	_ =	swait.ge [sflag:s16], $0x2780  }
0x3b: {  	[sflag:s16] =	ssyncset.done $0x0  }
0x3c: {  	s22 =	simm.s32 $0x0;
	[sflag:s16] =	ssyncadd.s32 $0xFFFFD880  }
0x3d: {  	[tilespmem:s22], [sflag:$0x1] =	stream.linear.gather [hbm4b:s12+s22], $0x2800, $0x38;
	[tilespmem:$0xB800] =	vst v63  }
0x3e: {  	_ =	swait.ge [sflag:s16], $0x2800  }
0x3f: {  	[sflag:s16] =	ssyncset.done $0x0  }
0x40: {  	[sflag:s16] =	ssyncadd.s32 $0xFFFFD800  }
0x41: {  	s31 =	simm.s32 $0x0;
	[bflag:$0x0] =	sbarrier.arrive $0xFFFF  }
0x42: {  	v2 =	vld [tilespmem:s31+$0x0];
	_ =	sdelay $0x4  }
0x43: {  	v2 =	vshrl.u32 v2, $0xE  }
0x44: {  	[tilespmem:$0x2800] =	vst v2  }
0x45: {  	v2 =	vld [tilespmem:s31+$0x10];
	_ =	sdelay $0x4  }
0x46: {  	v2 =	vshrl.u32 v2, $0xE  }
0x47: {  	[tilespmem:$0x2810] =	vst v2  }
0x48: {  	v2 =	vld [tilespmem:s31+$0x20];
	_ =	sdelay $0x4  }
0x49: {  	v2 =	vshrl.u32 v2, $0xE  }
0x4a: {  	[tilespmem:$0x2820] =	vst v2  }
0x4b: {  	v2 =	vld [tilespmem:s31+$0x30];
	_ =	sdelay $0x4  }
0x4c: {  	v2 =	vshrl.u32 v2, $0xE  }
0x4d: {  	[tilespmem:$0x2830] =	vst v2  }
0x4e: {  	v2 =	vld [tilespmem:s31+$0x40];
	_ =	sdelay $0x4  }
0x4f: {  	v2 =	vshrl.u32 v2, $0xE  }
0x50: {  	[tilespmem:$0x2840] =	vst v2  }
0x51: {  	v2 =	vld [tilespmem:s31+$0x50];
	_ =	sdelay $0x4  }
0x52: {  	v2 =	vshrl.u32 v2, $0xE  }
0x53: {  	[tilespmem:$0x2850] =	vst v2  }
0x54: {  	v2 =	vld [tilespmem:s31+$0x60];
	_ =	sdelay $0x4  }
0x55: {  	v2 =	vshrl.u32 v2, $0xE  }
0x56: {  	[tilespmem:$0x2860] =	vst v2  }
0x57: {  	v2 =	vld [tilespmem:s31+$0x70];
	_ =	sdelay $0x4  }
0x58: {  	v2 =	vshrl.u32 v2, $0xE  }
0x59: {  	[tilespmem:$0x2870] =	vst v2  }
0x5a: {  	[spmem:s2] =	stream.indirect.scatter.add.f32 [tilespmem:s19], [sflag:$0x1], $0x10, s18, s17, $0xb8;
	[tilespmem:$0xB800] =	vst v63  }
0x5b: {  	_ =	swait.ge [sflag:s16], $0x800  }
0x5c: {  	s25 =	simm.s32 $0x400;
	s22 =	simm.s32 $0x200;
	[sflag:s16] =	ssyncset.done $0x0  }
.LBB2_6:
0x5d: {  	s24 =	sshra.s32 s22, $0x2  }
0x5e: {  	[sflag:s16] =	ssyncadd.s32 $0xFFFFF800;
	s22 =	smov.u32 s25;
	s23 =	sadd.s32 $0x200, s25  }
0x5f: {  	p0 =	sne.s32 s25, $0x9E00;
	v2 =	vld [tilespmem:s24+$0x0];
	_ =	sdelay $0x4  }
0x60: {  	v2 =	vshrl.u32 v2, $0xE  }
0x61: {  	[tilespmem:$0x2800] =	vst v2  }
0x62: {  	v2 =	vld [tilespmem:s24+$0x10];
	_ =	sdelay $0x4  }
0x63: {  	v2 =	vshrl.u32 v2, $0xE  }
0x64: {  	[tilespmem:$0x2810] =	vst v2  }
0x65: {  	v2 =	vld [tilespmem:s24+$0x20];
	_ =	sdelay $0x4  }
0x66: {  	v2 =	vshrl.u32 v2, $0xE  }
0x67: {  	[tilespmem:$0x2820] =	vst v2  }
0x68: {  	v2 =	vld [tilespmem:s24+$0x30];
	_ =	sdelay $0x4  }
0x69: {  	v2 =	vshrl.u32 v2, $0xE  }
0x6a: {  	[tilespmem:$0x2830] =	vst v2  }
0x6b: {  	v2 =	vld [tilespmem:s24+$0x40];
	_ =	sdelay $0x4  }
0x6c: {  	v2 =	vshrl.u32 v2, $0xE  }
0x6d: {  	[tilespmem:$0x2840] =	vst v2  }
0x6e: {  	v2 =	vld [tilespmem:s24+$0x50];
	_ =	sdelay $0x4  }
0x6f: {  	v2 =	vshrl.u32 v2, $0xE  }
0x70: {  	[tilespmem:$0x2850] =	vst v2  }
0x71: {  	v2 =	vld [tilespmem:s24+$0x60];
	_ =	sdelay $0x4  }
0x72: {  	v2 =	vshrl.u32 v2, $0xE  }
0x73: {  	[tilespmem:$0x2860] =	vst v2  }
0x74: {  	v2 =	vld [tilespmem:s24+$0x70];
	_ =	sdelay $0x4  }
.Ltmp2:
0x75: {  	v2 =	vshrl.u32 v2, $0xE;
	(pc) =	sbr.rel @p0 .LBB2_6-.Ltmp2, $4  }
0x76: {  	[tilespmem:$0x2870] =	vst v2  }
0x77: {  	[spmem:s2] =	stream.indirect.scatter.add.f32 [tilespmem:s19], [sflag:$0x1], $0x10, s18, s17, $0xb8;
	[tilespmem:$0xB800] =	vst v63  }
0x78: {  	_ =	swait.ge [sflag:s16], $0x800  }
0x79: {  	s25 =	smov.u32 s23;
	[sflag:s16] =	ssyncset.done $0x0  }
0x7a: {  	s22 =	sshra.s32 s22, $0x2;
	[sflag:s16] =	ssyncadd.s32 $0xFFFFF800  }
0x7b: {  	v2 =	vld [tilespmem:s22+$0x0];
	_ =	sdelay $0x4  }
0x7c: {  	v2 =	vshrl.u32 v2, $0xE  }
0x7d: {  	[tilespmem:$0x2800] =	vst v2  }
0x7e: {  	v2 =	vld [tilespmem:s22+$0x10];
	_ =	sdelay $0x4  }
0x7f: {  	v2 =	vshrl.u32 v2, $0xE  }
0x80: {  	[tilespmem:$0x2810] =	vst v2  }
0x81: {  	v2 =	vld [tilespmem:s22+$0x20];
	_ =	sdelay $0x4  }
0x82: {  	v2 =	vshrl.u32 v2, $0xE  }
0x83: {  	[tilespmem:$0x2820] =	vst v2  }
0x84: {  	v2 =	vld [tilespmem:s22+$0x30];
	_ =	sdelay $0x4  }
0x85: {  	v2 =	vshrl.u32 v2, $0xE  }
0x86: {  	[tilespmem:$0x2830] =	vst v2  }
0x87: {  	v2 =	vld [tilespmem:s22+$0x40];
	_ =	sdelay $0x4  }
0x88: {  	v2 =	vshrl.u32 v2, $0xE  }
0x89: {  	[tilespmem:$0x2840] =	vst v2  }
0x8a: {  	v2 =	vld [tilespmem:s22+$0x50];
	_ =	sdelay $0x4  }
0x8b: {  	v2 =	vshrl.u32 v2, $0xE  }
0x8c: {  	[tilespmem:$0x2850] =	vst v2  }
0x8d: {  	v2 =	vld [tilespmem:s22+$0x60];
	_ =	sdelay $0x4  }
0x8e: {  	v2 =	vshrl.u32 v2, $0xE  }
0x8f: {  	[tilespmem:$0x2860] =	vst v2  }
0x90: {  	v2 =	vld [tilespmem:s22+$0x70];
	_ =	sdelay $0x4  }
0x91: {  	v2 =	vshrl.u32 v2, $0xE  }
0x92: {  	[tilespmem:$0x2870] =	vst v2  }
0x93: {  	[spmem:s2] =	stream.indirect.scatter.add.f32 [tilespmem:s19], [sflag:$0x1], $0x10, s18, s17, $0xb8;
	[tilespmem:$0xB800] =	vst v63  }
0x94: {  	_ =	swait.ge [sflag:s16], $0x800  }
0x95: {  	s3 =	sadd.s32 $0x1, s3;
	[sflag:s16] =	ssyncset.done $0x0  }
0x96: {  	p0 =	sne.s32 s3, s14;
	[sflag:s16] =	ssyncadd.s32 $0xFFFFF800  }
.Ltmp3:
0x97: {  	[bflag:$0x0] =	sbarrier.arrive $0xFFFF;
	(pc) =	sbr.rel @p0 .LBB2_1-.Ltmp3, $4  }
0x98: {  	[hbm:s13], [sflag:s20] =	dma.local [spmem:s21], $0x2780  }
0x99: {  	_ =	swait.ge [sflag:s16], $0x2780  }
0x9a: {  	[sflag:s16] =	ssyncset.done $0x0  }
0x9b: {  	[sflag:s16] =	ssyncadd.s32 $0xFFFFD880  }
0x9c: {  	_ =	sfence.sel $0x180000  }
0x9d: {  	[bflag:$0x0] =	sbarrier.arrive $0xFFFF  }
0x9e: {  	p0 =	sne.s32 s0, $0x0;
	_ =	strace $0x90000047  }
0x9f: {  	s0 =	sadd.s32 @!p0 $0x100000, s1;
	[bflag:$0x2] =	sbarrier.arrive $0xFFFF  }
0xa0: {  	[sflag:s0] =	ssyncadd.tile.s32 @!p0 $0x1;
	_ =	shalt  }
.Lfunc_end2:
_tile_overlayer_lowered:
.L_overlay_start_2:
0xa1: {  	(tag) =	ssettag $0x2  }
0xa2: {  	s0 =	rddreg [dreg:$0x0];
	s2 =	stileid.u32  }
0xa3: {  	s1 =	rddreg [dreg:$0x1];
	p0 =	sne.s32 s2, $0x0  }
0xa4: {  	s3 =	rddreg [dreg:$0x2];
	[bflag:$0x3] =	sbarrier.arrive $0xFFFF;
	s2 =	simm.s32 @!p0 $0x1C01  }
0xa5: {  	[timem:s3], [sflag:s2] =	dma.local @!p0 [hbm:s0], s1  }
0xa6: {  	s0 =	simm.s32 @!p0 $0x1  }
0xa7: {  	_ =	swait.ge @!p0 [sflag:s0], s1  }
0xa8: {  	s1 =	ssub.s32 @!p0 $0x0, s1;
	[sflag:s0] =	ssyncset.done @!p0 $0x0  }
0xa9: {  	[sflag:s0] =	ssyncadd.s32 @!p0 s1  }
0xaa: {  	[bflag:$0x3] =	sbarrier.arrive $0xFFFF  }
0xab: {  	_ =	shalt  }

// kernel: kernel.9.cloned.1.call-start
scs
__scs_entry_jumppad:
0x0: {  	(pc) =	sbr.rel $0x88, $3  }
0x1: {  	(tag) =	ssettag $0x0;
	lr =	simm.s32 $0x1  }
0x2: {  	[smem:$0x3F9F] =	sst lr;
	_ =	strace $0xD0000000  }
0x3: {  	_ = 	snop  }
0x4: {  	_ = 	snop  }
0x5: {  	_ = 	snop  }
0x6: {  	_ = 	snop  }
0x7: {  	_ = 	snop  }
__scs_overlays_trampoline_lowered:
0x8: {  	[smem:$0x3FAE] =	sst s0  }
0x9: {  	[smem:$0x3FAF] =	sst s1  }
0xa: {  	[smem:$0x3FB0] =	sst s2  }
0xb: {  	[smem:$0x3FB1] =	sst s3  }
0xc: {  	[smem:$0x3FB2] =	sst s4  }
0xd: {  	[smem:$0x3FB3] =	sst s5  }
0xe: {  	[smem:$0x3FB4] =	sst s6  }
0xf: {  	[smem:$0x3FB5] =	sst s7  }
0x10: {  	[smem:$0x3FB6] =	sst s8  }
0x11: {  	[smem:$0x3FB7] =	sst s9;
	s0 =	simm.s32 @!p0 $0x0  }
0x12: {  	s1 =	sld [smem:$0x3F9D];
	s0 =	simm.s32 @p0 $0x1  }
0x13: {  	[smem:$0x3FB8] =	sst s0;
	s0 =	simm.s32 @!p1 $0x0  }
0x14: {  	s2 =	sld [smem:$0x3F9C];
	s0 =	simm.s32 @p1 $0x1  }
0x15: {  	[smem:$0x3FB9] =	sst s0;
	s0 =	simm.s32 @!p2 $0x0  }
0x16: {  	s3 =	sld [smem:$0x3FDB];
	s0 =	simm.s32 @p2 $0x1  }
0x17: {  	s4 =	simm.s32 $0x1BF5;
	[smem:$0x3FBB] =	sst s0  }
0x18: {  	s0 =	sld [smem:$0x3F9E];
	_ =	swait.ge [sflag:s4], $0x0  }
0x19: {  	s7 =	sld [smem:$0x3F9F]  }
0x1a: {  	s8 =	sadd.s32 $0xFFFFE003, lr  }
0x1b: {  	s9 =	sadd.s32 $0xFFFFFEF7, lr;
	s5 =	simm.s32 $0xFFFFFFFF;
	p2 =	slt.u32 s8, $0xFFFFF086  }
0x1c: {  	p1 =	slt.u32 s9, $0xF7A;
	s5 =	simm.s32 @!p2 $0x0  }
0x1d: {  	s5 =	simm.s32 @p1 $0x1;
	p0 =	seq.s32 s7, s2  }
0x1e: {  	s7 =	smul.u32 @!p0 $0xF7A, s2;
	p2 =	seq.s32 @!p0 s5, $0x0  }
0x1f: {  	s9 =	smul.u32 $0xF7A, s1;
	s8 =	simm.s32 @!p0 $0x1BF5;
	p2 =	por !p2, p0  }
0x20: {  	[sflag:s8] =	ssyncset.s32 @!p0 $0xFFFFF086;
	s6 =	sadd.s32 @!p0 s3, s7;
	s7 =	simm.s32 @!p0 $0x108  }
0x21: {  	s3 =	sadd.s32 s3, s9;
	s6 =	sadd.s32 @!p0 $0x88, s6;
	s7 =	simm.s32 @p2 $0x1082  }
0x22: {  	[simem:s7], [sflag:s8] =	dma.local @!p0 [hbm:s6], $0xF7A  }
0x23: {  	s9 =	sor.u32 $0xD0000000, s2;
	s6 =	simm.s32 $0x108;
	_ =	swait.ge @!p0 [sflag:s8], $0x0  }
0x24: {  	s3 =	sadd.s32 $0x88, s3;
	s6 =	simm.s32 @!p1 $0x1082;
	[sflag:s4] =	ssyncset.s32 $0xFFFFF086  }
0x25: {  	[simem:s6], [sflag:s4] =	dma.local [hbm:s3], $0xF7A  }
0x26: {  	[smem:$0x3F9F] =	sst s1;
	(tag) =	ssettag s2;
	_ =	strace s9  }
0x27: {  	s1 =	sld [smem:$0x3FAF]  }
0x28: {  	s2 =	sld [smem:$0x3FB0]  }
0x29: {  	s4 =	sld [smem:$0x3FB2]  }
0x2a: {  	p0 =	seq.s32 s5, $0x0;
	s5 =	sld [smem:$0x3FB3]  }
0x2b: {  	s6 =	sld [smem:$0x3FB4]  }
0x2c: {  	s7 =	sld [smem:$0x3FB5]  }
0x2d: {  	s3 =	simm.s32 $0x108;
	s8 =	sld [smem:$0x3FB6]  }
0x2e: {  	s3 =	simm.s32 @!p0 $0x1082;
	s9 =	sld [smem:$0x3FB7]  }
0x2f: {  	lr =	sadd.s32 s0, s3;
	s0 =	sld [smem:$0x3FAE]  }
0x30: {  	s3 =	sld [smem:$0x3FB1]  }
0x31: {  	[smem:$0x3FBA] =	sst s10  }
0x32: {  	s10 =	sld [smem:$0x3FB8];
	_ =	sdelay $0x3  }
0x33: {  	p0 =	seq.s32 s10, $0x1;
	s10 =	sld [smem:$0x3FBA];
	_ =	sdelay $0x3  }
0x34: {  	[smem:$0x3FBA] =	sst s10  }
0x35: {  	s10 =	sld [smem:$0x3FB9];
	_ =	sdelay $0x3  }
0x36: {  	p1 =	seq.s32 s10, $0x1;
	s10 =	sld [smem:$0x3FBA];
	_ =	sdelay $0x3  }
0x37: {  	[smem:$0x3FBA] =	sst s10  }
0x38: {  	s10 =	sld [smem:$0x3FBB]  }
0x39: {  	_ = 	snop;
	(pc) =	sbr.ind lr, $3  }
0x3a: {  	_ = 	snop  }
0x3b: {  	_ = 	snop  }
0x3c: {  	p2 =	seq.s32 s10, $0x1;
	s10 =	sld [smem:$0x3FBA]  }
0x3d: {  	_ =	shalt  }
0x3e: {  	_ =	shalt  }
0x3f: {  	_ =	shalt  }
0x40: {  	_ =	shalt  }
0x41: {  	_ =	shalt  }
0x42: {  	_ =	shalt  }
0x43: {  	_ =	shalt  }
0x44: {  	_ =	shalt  }
0x45: {  	_ =	shalt  }
0x46: {  	_ =	shalt  }
0x47: {  	_ =	shalt  }
0x48: {  	_ =	shalt  }
0x49: {  	_ =	shalt  }
0x4a: {  	_ =	shalt  }
0x4b: {  	_ =	shalt  }
0x4c: {  	_ =	shalt  }
0x4d: {  	_ =	shalt  }
0x4e: {  	_ =	shalt  }
0x4f: {  	_ =	shalt  }
0x50: {  	_ =	shalt  }
0x51: {  	_ =	shalt  }
0x52: {  	_ =	shalt  }
0x53: {  	_ =	shalt  }
0x54: {  	_ =	shalt  }
0x55: {  	_ =	shalt  }
0x56: {  	_ =	shalt  }
0x57: {  	_ =	shalt  }
0x58: {  	_ =	shalt  }
0x59: {  	_ =	shalt  }
0x5a: {  	_ =	shalt  }
0x5b: {  	_ =	shalt  }
0x5c: {  	_ =	shalt  }
0x5d: {  	_ =	shalt  }
0x5e: {  	_ =	shalt  }
0x5f: {  	_ =	shalt  }
0x60: {  	_ =	shalt  }
0x61: {  	_ =	shalt  }
0x62: {  	_ =	shalt  }
0x63: {  	_ =	shalt  }
0x64: {  	_ =	shalt  }
0x65: {  	_ =	shalt  }
0x66: {  	_ =	shalt  }
0x67: {  	_ =	shalt  }
0x68: {  	_ =	shalt  }
0x69: {  	_ =	shalt  }
0x6a: {  	_ =	shalt  }
0x6b: {  	_ =	shalt  }
0x6c: {  	_ =	shalt  }
0x6d: {  	_ =	shalt  }
0x6e: {  	_ =	shalt  }
0x6f: {  	_ =	shalt  }
0x70: {  	_ =	shalt  }
0x71: {  	_ =	shalt  }
0x72: {  	_ =	shalt  }
0x73: {  	_ =	shalt  }
0x74: {  	_ =	shalt  }
0x75: {  	_ =	shalt  }
0x76: {  	_ =	shalt  }
0x77: {  	_ =	shalt  }
0x78: {  	_ =	shalt  }
0x79: {  	_ =	shalt  }
0x7a: {  	_ =	shalt  }
0x7b: {  	_ =	shalt  }
0x7c: {  	_ =	shalt  }
0x7d: {  	_ =	shalt  }
0x7e: {  	_ =	shalt  }
0x7f: {  	_ =	shalt  }
0x80: {  	_ =	shalt  }
0x81: {  	_ =	shalt  }
0x82: {  	_ =	shalt  }
0x83: {  	_ =	shalt  }
0x84: {  	_ =	shalt  }
0x85: {  	_ =	shalt  }
0x86: {  	_ =	shalt  }
0x87: {  	_ =	shalt  }
.Lfunc_end0:
.L_simem_size_0:
called_computation.1_lowered:
.L_overlay_start_0:
0x88: {  	s2 =	sld [smem:$0x3FD9]  }
0x89: {  	s3 =	sld [smem:$0x3FFE];
	_ =	sdelay $0x1  }
0x8a: {  	s1 =	srdreg.scid  }
0x8b: {  	s0 =	sand.u32 $0x1, s1  }
0x8c: {  	s17 =	sshll.u32 s0, $0xA;
	s2 =	sadd.s32 s3, s2  }
0x8d: {  	s2 =	sadd.s32 s2, s17  }
0x8e: {  	[smem:$0x3FC6] =	sst s2  }
0x8f: {  	_ = 	snop  }
0x90: {  	s2 =	sld [smem:$0x3FD0];
	(tm) =	ssettm $0x1  }
0x91: {  	s18 =	sld [smem:$0x3FFB];
	_ =	sdelay $0x3  }
0x92: {  	_ =	strace s18  }
0x93: {  	s3 =	sld [smem:$0x3FFC];
	_ =	sdelay $0x3  }
0x94: {  	_ =	strace s3  }
0x95: {  	s3 =	sld [smem:$0x3FFD];
	_ =	sdelay $0x3  }
0x96: {  	_ =	strace s3  }
0x97: {  	_ =	strace $0x8FFFFFFF  }
0x98: {  	s19 =	sld [smem:$0x3FDB];
	_ =	sdelay $0x1  }
0x99: {  	s4 =	simm.s32 $_scs_section_size  }
0x9a: {  	s5 =	simm.s32 $_size__tile_overlayer_lowered;
	s6 =	simm.s32 $_tile_overlayer_lowered  }
0x9b: {  	s22 =	simm.s32 $0x1BFF;
	s21 =	sshll.u32 s6, $0x1;
	s3 =	sadd.s32 s4, s19  }
0x9c: {  	s7 =	simm.s32 $0x0;
	s20 =	sshll.u32 s5, $0x1;
	s5 =	sadd.s32 s21, s3  }
0x9d: {  	[timem:s7], [sflag:s22] =	dma.local [hbm:s5], s20  }
0x9e: {  	_ =	swait.ge [sflag:s22], s20  }
0x9f: {  	s4 =	ssub.s32 $0x0, s20;
	[sflag:s22] =	ssyncset.done $0x0  }
0xa0: {  	[sflag:s22] =	ssyncadd.s32 s4;
	_ =	sdelay $0x1  }
0xa1: {  	s23 =	simm.s32 $0x1B8B  }
0xa2: {  	_ =	swait.ge [sflag:s23], $0x1  }
0xa3: {  	[sflag:s23] =	ssyncset.done $0x0  }
0xa4: {  	s25 =	simm.s32 $0x1B8E;
	s24 =	sld [smem:$0x3FFE];
	[sflag:s23] =	ssyncadd.s32 $0xFFFFFFFF  }
0xa5: {  	s26 =	simm.s32 $execute0_lowered;
	[smem:$0x3FD2] =	sst s25  }
0xa6: {  	s5 =	sshll.u32 s26, $0x1;
	_ =	strace $0x80000049;
	[dreg:$0x1] =	wrdreg $0xFFFFFFFF  }
0xa7: {  	s28 =	simm.s32 $_size_execute0_lowered;
	s3 =	sadd.s32 s3, s5;
	[dreg:$0x0] =	wrdreg $0x0  }
0xa8: {  	s5 =	sshll.u32 s28, $0x1;
	[dreg:$0x2] =	wrdreg s3  }
0xa9: {  	[dreg:$0x3] =	wrdreg s5  }
0xaa: {  	[dreg:$0x4] =	wrdreg $0xC0  }
0xab: {  	_ =	task [dreg:s7], $0x5FFFF  }
0xac: {  	[dreg:$0x1] =	wrdreg $0xFFFFFFFF  }
0xad: {  	[dreg:$0x0] =	wrdreg $0x60  }
0xae: {  	[dreg:$0x2] =	wrdreg s24  }
0xaf: {  	[dreg:$0x3] =	wrdreg s2  }
0xb0: {  	[dreg:$0x4] =	wrdreg $0xAA000  }
0xb1: {  	[dreg:$0x5] =	wrdreg $0x9  }
0xb2: {  	_ =	task.clear_ibuf [dreg:s7], $0x6FFFF;
	_ =	strace $0x90000049  }
0xb3: {  	s29 =	simm.s32 $0x9;
	_ =	strace $0x8000004B  }
0xb4: {  	_ =	swait.ge [sflag:s29], $0x1  }
0xb5: {  	[sflag:s29] =	ssyncadd.s32 $0xFFFFFFFF  }
0xb6: {  	_ =	strace $0x9000004B  }
0xb7: {  	_ =	sfence  }
0xb8: {  	s30 =	sld [smem:$0x0];
	_ =	sdelay $0x2  }
0xb9: {  	s31 =	sshll.u32 s1, $0xD;
	s1 =	sshrl.u32 s1, $0x2  }
0xba: {  	s3 =	sand.u32 $0x4000, s31;
	s1 =	sadd.s32 s1, s30  }
0xbb: {  	s0 =	sor.u32 s3, s0;
	s1 =	sshll.u32 s1, $0x11  }
0xbc: {  	s0 =	sor.u32 s1, s0  }
0xbd: {  	s0 =	sadd.s32 $0x8F2B, s0  }
0xbe: {  	[sflag:s0] =	ssyncadd.remote.s32 $0x1  }
0xbf: {  	_ =	sfence.sel $0xFFFF  }
0xc0: {  	[dreg:$0x0] =	wrdreg $0xFFFFFFFF;
	(pc) =	sbr.abs _section_cstart, $3  }
0xc1: {  	[dreg:$0x1] =	wrdreg $0xFFFFFFFF  }
0xc2: {  	_ =	task.clear_ibuf [dreg:s7], $0x2FFFF;
	_ =	strace $0x9FFFFFFF  }
0xc3: {  	(tm) =	ssettm $0x7FFFFFFF  }
tec
execute0_lowered:
.L_overlay_start_1:
0x0: {  	(tag) =	ssettag $0x1  }
0x1: {  	s5 =	rddreg [dreg:$0x0]  }
0x2: {  	s10 =	rddreg [dreg:$0x1]  }
0x3: {  	s2 =	rddreg [dreg:$0x2]  }
0x4: {  	s0 =	srdreg.scid;
	s1 =	rddreg [dreg:$0x3];
	s3 =	simm.s32 $0x0  }
0x5: {  	s14 =	simm.s32 $0x3;
	s15 =	simm.s32 $0x80;
	s16 =	simm.s32 $0x2800  }
0x6: {  	s17 =	simm.s32 $0x6900;
	s18 =	simm.s32 $0x6A00;
	s19 =	simm.s32 $0x1  }
0x7: {  	s20 =	simm.s32 $0x2880;
	s6 =	sand.u32 $0x1, s0;
	s0 =	stileid.u32  }
0x8: {  	s21 =	simm.s32 $0x2;
	[smem:$0x7FF] =	sst s3;
	s4 =	smul.u32 $0x13C000, s6  }
0x9: {  	s22 =	simm.s32 $0x6980;
	s7 =	smul.u32 $0x13C00, s0;
	_ =	strace $0x8000004A  }
0xa: {  	s8 =	smul.u32 $0x4F000, s0;
	s28 =	sshll.u32 s6, $0x4;
	s6 =	ssub.s32 $0x2, s6  }
0xb: {  	s29 =	sor.u32 s0, s28;
	s31 =	sshrl.u32 s6, $0x1;
	s4 =	sadd.s32 s7, s4  }
0xc: {  	s30 =	sshrl.u32 s8, $0x2;
	s12 =	smul.u32 $0x500, s29;
	s7 =	sshrl.u32 s4, $0x3  }
0xd: {  	s13 =	ssub.s32 s6, s31;
	s4 =	sadd.s32 $0x1200, s5;
	s11 =	sadd.s32 s7, s5  }
0xe: {  	s5 =	sadd.s32 s30, s2;
	s10 =	sadd.s32 s10, s12;
	s12 =	smax.u32 s13, $0x1  }
0xf: {  	s13 =	simm.s32 $0x2900;
	s6 =	sadd.s32 $0x4000, s5;
	s7 =	sadd.s32 $0x8000, s5  }
0x10: {  	v0 =	vimm.f32 $0.0e+00;
	s8 =	sadd.s32 $0xC000, s5;
	s9 =	sadd.s32 $0x10000, s5;
	s11 =	sadd.s32 $0x28A00, s11  }
.LBB2_1:
0x11: {  	s23 =	simm.s32 $0x0;
	s24 =	simm.s32 $0x200  }
.LBB2_2:
0x12: {  	p0 =	sne.s32 s24, $0xFE00;
	[tilespmem:s23+$0x2970] =	vst v0  }
0x13: {  	[tilespmem:s23+$0x2900] =	vst v0  }
0x14: {  	[tilespmem:s23+$0x2910] =	vst v0  }
.Ltmp0:
0x15: {  	[tilespmem:s23+$0x2920] =	vst v0;
	(pc) =	sbr.rel @p0 .LBB2_2-.Ltmp0, $4  }
0x16: {  	[tilespmem:s23+$0x2930] =	vst v0  }
0x17: {  	[tilespmem:s23+$0x2940] =	vst v0  }
0x18: {  	[tilespmem:s23+$0x2950] =	vst v0  }
0x19: {  	[tilespmem:s23+$0x2960] =	vst v0;
	s23 =	sshra.s32 s24, $0x2;
	s24 =	sadd.s32 $0x200, s24  }
0x1a: {  	[tilespmem:s23+$0x2970] =	vst v0  }
0x1b: {  	[tilespmem:s23+$0x2900] =	vst v0  }
0x1c: {  	[tilespmem:s23+$0x2910] =	vst v0  }
0x1d: {  	[tilespmem:s23+$0x2920] =	vst v0  }
0x1e: {  	[tilespmem:s23+$0x2930] =	vst v0  }
0x1f: {  	[tilespmem:s23+$0x2940] =	vst v0  }
0x20: {  	[tilespmem:s23+$0x2950] =	vst v0  }
0x21: {  	[tilespmem:s23+$0x2960] =	vst v0  }
0x22: {  	[spmem:s5] =	stream.linear.scatter [tilespmem:s13], [sflag:$0x3], $0x4000, $0x38;
	[tilespmem:$0x1E600] =	vst v63  }
0x23: {  	_ =	swait.ge [sflag:s14], $0x4000  }
0x24: {  	[sflag:s14] =	ssyncset.done $0x0  }
0x25: {  	[sflag:s14] =	ssyncadd.s32 $0xFFFFC000  }
0x26: {  	[spmem:s6] =	stream.linear.scatter [tilespmem:s13], [sflag:$0x3], $0x4000, $0x38;
	[tilespmem:$0x1E600] =	vst v63  }
0x27: {  	_ =	swait.ge [sflag:s14], $0x4000  }
0x28: {  	[sflag:s14] =	ssyncset.done $0x0  }
0x29: {  	[sflag:s14] =	ssyncadd.s32 $0xFFFFC000  }
0x2a: {  	[spmem:s7] =	stream.linear.scatter [tilespmem:s13], [sflag:$0x3], $0x4000, $0x38;
	[tilespmem:$0x1E600] =	vst v63  }
0x2b: {  	_ =	swait.ge [sflag:s14], $0x4000  }
0x2c: {  	[sflag:s14] =	ssyncset.done $0x0  }
0x2d: {  	[sflag:s14] =	ssyncadd.s32 $0xFFFFC000  }
0x2e: {  	[spmem:s8] =	stream.linear.scatter [tilespmem:s13], [sflag:$0x3], $0x4000, $0x38;
	[tilespmem:$0x1E600] =	vst v63  }
0x2f: {  	_ =	swait.ge [sflag:s14], $0x4000  }
0x30: {  	[sflag:s14] =	ssyncset.done $0x0  }
0x31: {  	[sflag:s14] =	ssyncadd.s32 $0xFFFFC000  }
0x32: {  	[spmem:s9] =	stream.linear.scatter [tilespmem:s13], [sflag:$0x3], $0x3C00, $0x38;
	[tilespmem:$0x1E600] =	vst v63  }
0x33: {  	_ =	swait.ge [sflag:s14], $0x3C00  }
0x34: {  	[sflag:s14] =	ssyncset.done $0x0  }
0x35: {  	s30 =	simm.s32 $0x0;
	[sflag:s14] =	ssyncadd.s32 $0xFFFFC400  }
0x36: {  	[tilespmem:s30], [sflag:$0x3] =	stream.linear.gather [hbm4b:s10+s30], $0x2800, $0x38;
	[tilespmem:$0x1E600] =	vst v63  }
0x37: {  	_ =	swait.ge [sflag:s14], $0x2800  }
0x38: {  	[sflag:s14] =	ssyncset.done $0x0  }
0x39: {  	[sflag:s14] =	ssyncadd.s32 $0xFFFFD800  }
0x3a: {  	[bflag:$0x0] =	sbarrier.arrive $0xFFFF  }
0x3b: {  	v1 =	vld [tilespmem:$0x0];
	_ =	sdelay $0x1  }
0x3c: {  	v2 =	vld [tilespmem:$0x10];
	_ =	sdelay $0x1  }
0x3d: {  	v3 =	vld [tilespmem:$0x20]  }
0x3e: {  	v4 =	vand.u32 $0x3FFF, v1  }
0x3f: {  	v62 =	vld [tilespmem:$0x30];
	v1 =	vshrl.u32 v1, $0xE;
	[tilespmem:$0x2800] =	vst v4  }
0x40: {  	[tilespmem:$0x2880] =	vst v1;
	v1 =	vand.u32 $0x3FFF, v2  }
0x41: {  	[tilespmem:$0x2810] =	vst v1;
	v1 =	vshrl.u32 v2, $0xE;
	v2 =	vld [tilespmem:$0x40]  }
0x42: {  	[tilespmem:$0x2890] =	vst v1;
	v1 =	vand.u32 $0x3FFF, v3  }
0x43: {  	[tilespmem:$0x2820] =	vst v1;
	v1 =	vshrl.u32 v3, $0xE;
	v3 =	vld [tilespmem:$0x50]  }
0x44: {  	[tilespmem:$0x28A0] =	vst v1;
	v1 =	vand.u32 $0x3FFF, v62  }
0x45: {  	v63 =	vld [tilespmem:$0x60];
	[tilespmem:$0x2830] =	vst v1;
	v1 =	vshrl.u32 v62, $0xE  }
0x46: {  	[tilespmem:$0x28B0] =	vst v1;
	v1 =	vand.u32 $0x3FFF, v2  }
0x47: {  	[tilespmem:$0x2840] =	vst v1;
	v1 =	vshrl.u32 v2, $0xE;
	v2 =	vld [tilespmem:$0x70]  }
0x48: {  	[tilespmem:$0x28C0] =	vst v1;
	v1 =	vand.u32 $0x3FFF, v3  }
0x49: {  	[tilespmem:$0x2850] =	vst v1;
	v1 =	vshrl.u32 v3, $0xE  }
0x4a: {  	[tilespmem:$0x28D0] =	vst v1;
	v1 =	vand.u32 $0x3FFF, v63  }
0x4b: {  	[tilespmem:$0x2860] =	vst v1;
	v1 =	vshrl.u32 v63, $0xE  }
0x4c: {  	[tilespmem:$0x28E0] =	vst v1;
	v1 =	vand.u32 $0x3FFF, v2  }
0x4d: {  	[tilespmem:$0x2870] =	vst v1;
	v1 =	vshrl.u32 v2, $0xE  }
0x4e: {  	s31 =	simm.s32 $0x0;
	[tilespmem:$0x28F0] =	vst v1  }
0x4f: {  	[tilespmem:s13], [sflag:$0x1] =	stream.indirect.gather [hbm4b:s4+s15], $0x80, s16, s15, $0xb8;
	[tilespmem:$0x1E600] =	vst v63  }
0x50: {  	v1 =	vld [tilespmem:s31+$0x80];
	_ =	sdelay $0x4  }
0x51: {  	v2 =	vand.u32 $0x3FFF, v1  }
0x52: {  	v1 =	vshrl.u32 v1, $0xE;
	[tilespmem:$0x6900] =	vst v2  }
0x53: {  	[tilespmem:$0x6980] =	vst v1  }
0x54: {  	v1 =	vld [tilespmem:s31+$0x90];
	_ =	sdelay $0x4  }
0x55: {  	v2 =	vand.u32 $0x3FFF, v1  }
0x56: {  	v1 =	vshrl.u32 v1, $0xE;
	[tilespmem:$0x6910] =	vst v2  }
0x57: {  	[tilespmem:$0x6990] =	vst v1  }
0x58: {  	v1 =	vld [tilespmem:s31+$0xA0];
	_ =	sdelay $0x4  }
0x59: {  	v2 =	vand.u32 $0x3FFF, v1  }
0x5a: {  	v1 =	vshrl.u32 v1, $0xE;
	[tilespmem:$0x6920] =	vst v2  }
0x5b: {  	[tilespmem:$0x69A0] =	vst v1  }
0x5c: {  	v1 =	vld [tilespmem:s31+$0xB0];
	_ =	sdelay $0x4  }
0x5d: {  	v2 =	vand.u32 $0x3FFF, v1  }
0x5e: {  	v1 =	vshrl.u32 v1, $0xE;
	[tilespmem:$0x6930] =	vst v2  }
0x5f: {  	[tilespmem:$0x69B0] =	vst v1  }
0x60: {  	v1 =	vld [tilespmem:s31+$0xC0];
	_ =	sdelay $0x4  }
0x61: {  	v2 =	vand.u32 $0x3FFF, v1  }
0x62: {  	v1 =	vshrl.u32 v1, $0xE;
	[tilespmem:$0x6940] =	vst v2  }
0x63: {  	[tilespmem:$0x69C0] =	vst v1  }
0x64: {  	v1 =	vld [tilespmem:s31+$0xD0];
	_ =	sdelay $0x4  }
0x65: {  	v2 =	vand.u32 $0x3FFF, v1  }
0x66: {  	v1 =	vshrl.u32 v1, $0xE;
	[tilespmem:$0x6950] =	vst v2  }
0x67: {  	[tilespmem:$0x69D0] =	vst v1  }
0x68: {  	v1 =	vld [tilespmem:s31+$0xE0];
	_ =	sdelay $0x4  }
0x69: {  	v2 =	vand.u32 $0x3FFF, v1  }
0x6a: {  	v1 =	vshrl.u32 v1, $0xE;
	[tilespmem:$0x6960] =	vst v2  }
0x6b: {  	[tilespmem:$0x69E0] =	vst v1  }
0x6c: {  	v1 =	vld [tilespmem:s31+$0xF0];
	_ =	sdelay $0x4  }
0x6d: {  	v2 =	vand.u32 $0x3FFF, v1  }
0x6e: {  	v1 =	vshrl.u32 v1, $0xE;
	[tilespmem:$0x6970] =	vst v2  }
0x6f: {  	[tilespmem:$0x69F0] =	vst v1  }
0x70: {  	[tilespmem:s18], [sflag:$0x2] =	stream.indirect.gather [hbm4b:s4+s15], $0x80, s17, s15, $0xb8;
	[tilespmem:$0x1E600] =	vst v63  }
0x71: {  	_ =	swait.ge [sflag:s19], $0x4000  }
0x72: {  	[sflag:s19] =	ssyncset.done $0x0  }
0x73: {  	[sflag:s19] =	ssyncadd.s32 $0xFFFFC000  }
0x74: {  	[spmem:s2] =	stream.indirect.scatter.add.f32 [tilespmem:s13], [sflag:$0x3], $0x80, s20, s15, $0xb8;
	[tilespmem:$0x1E600] =	vst v63  }
0x75: {  	_ =	swait.ge [sflag:s14], $0x4000  }
0x76: {  	p1 =	por $0x0, $0x0;
	[sflag:s14] =	ssyncset.done $0x0  }
0x77: {  	s24 =	simm.s32 @!p1 $0x0;
	[sflag:s14] =	ssyncadd.s32 $0xFFFFC000  }
0x78: {  	v1 =	vld @!p1 [tilespmem:s24+$0x100];
	_ =	sdelay $0x4  }
0x79: {  	v2 =	vand.u32 @!p1 $0x3FFF, v1  }
0x7a: {  	v1 =	vshrl.u32 @!p1 v1, $0xE;
	[tilespmem:$0x2800] =	vst @!p1 v2  }
0x7b: {  	[tilespmem:$0x2880] =	vst @!p1 v1  }
0x7c: {  	v1 =	vld @!p1 [tilespmem:s24+$0x110];
	_ =	sdelay $0x4  }
0x7d: {  	v2 =	vand.u32 @!p1 $0x3FFF, v1  }
0x7e: {  	v1 =	vshrl.u32 @!p1 v1, $0xE;
	[tilespmem:$0x2810] =	vst @!p1 v2  }
0x7f: {  	[tilespmem:$0x2890] =	vst @!p1 v1  }
0x80: {  	v1 =	vld @!p1 [tilespmem:s24+$0x120];
	_ =	sdelay $0x4  }
0x81: {  	v2 =	vand.u32 @!p1 $0x3FFF, v1  }
0x82: {  	v1 =	vshrl.u32 @!p1 v1, $0xE;
	[tilespmem:$0x2820] =	vst @!p1 v2  }
0x83: {  	[tilespmem:$0x28A0] =	vst @!p1 v1  }
0x84: {  	v1 =	vld @!p1 [tilespmem:s24+$0x130];
	_ =	sdelay $0x4  }
0x85: {  	v2 =	vand.u32 @!p1 $0x3FFF, v1  }
0x86: {  	v1 =	vshrl.u32 @!p1 v1, $0xE;
	[tilespmem:$0x2830] =	vst @!p1 v2  }
0x87: {  	[tilespmem:$0x28B0] =	vst @!p1 v1  }
0x88: {  	v1 =	vld @!p1 [tilespmem:s24+$0x140];
	_ =	sdelay $0x4  }
0x89: {  	v2 =	vand.u32 @!p1 $0x3FFF, v1  }
0x8a: {  	v1 =	vshrl.u32 @!p1 v1, $0xE;
	[tilespmem:$0x2840] =	vst @!p1 v2  }
0x8b: {  	[tilespmem:$0x28C0] =	vst @!p1 v1  }
0x8c: {  	v1 =	vld @!p1 [tilespmem:s24+$0x150];
	_ =	sdelay $0x4  }
0x8d: {  	v2 =	vand.u32 @!p1 $0x3FFF, v1  }
0x8e: {  	v1 =	vshrl.u32 @!p1 v1, $0xE;
	[tilespmem:$0x2850] =	vst @!p1 v2  }
0x8f: {  	[tilespmem:$0x28D0] =	vst @!p1 v1  }
0x90: {  	v1 =	vld @!p1 [tilespmem:s24+$0x160];
	_ =	sdelay $0x4  }
0x91: {  	s23 =	simm.s32 $0x400;
	v2 =	vand.u32 @!p1 $0x3FFF, v1  }
0x92: {  	s26 =	simm.s32 @!p1 $0x80;
	s28 =	simm.s32 @!p1 $0x2800;
	s29 =	simm.s32 @!p1 $0x2900;
	v1 =	vshrl.u32 @!p1 v1, $0xE;
	[tilespmem:$0x2860] =	vst @!p1 v2  }
.LBB2_4:
0x93: {  	[tilespmem:$0x28E0] =	vst @!p1 v1;
	s25 =	smov.u32 s23;
	s23 =	sadd.s32 $0x400, s23  }
0x94: {  	p0 =	sne.s32 s23, $0xA000;
	v1 =	vld @!p1 [tilespmem:s24+$0x170];
	_ =	sdelay $0x4  }
0x95: {  	v2 =	vand.u32 @!p1 $0x3FFF, v1;
	v1 =	vshrl.u32 @!p1 v1, $0xE  }
0x96: {  	[tilespmem:$0x2870] =	vst @!p1 v2  }
0x97: {  	[tilespmem:$0x28F0] =	vst @!p1 v1  }
0x98: {  	[tilespmem:s29], [sflag:$0x1] =	stream.indirect.gather @!p1 [hbm4b:s4+s26], $0x80, s28, s26, $0xb8;
	[tilespmem:$0x1E600] =	vst v63  }
0x99: {  	_ =	swait.ge [sflag:s21], $0x4000  }
0x9a: {  	[sflag:s21] =	ssyncset.done $0x0  }
0x9b: {  	[sflag:s21] =	ssyncadd.s32 $0xFFFFC000  }
0x9c: {  	[spmem:s2] =	stream.indirect.scatter.add.f32 [tilespmem:s18], [sflag:$0x3], $0x80, s22, s15, $0xb8;
	[tilespmem:$0x1E600] =	vst v63  }
0x9d: {  	_ =	swait.ge [sflag:s14], $0x4000  }
0x9e: {  	[sflag:s14] =	ssyncset.done $0x0  }
0x9f: {  	s24 =	sshra.s32 s25, $0x2;
	[sflag:s14] =	ssyncadd.s32 $0xFFFFC000  }
0xa0: {  	v1 =	vld [tilespmem:s24+$0x80];
	_ =	sdelay $0x4  }
0xa1: {  	v2 =	vand.u32 $0x3FFF, v1;
	v1 =	vshrl.u32 v1, $0xE  }
0xa2: {  	[tilespmem:$0x6900] =	vst v2  }
0xa3: {  	[tilespmem:$0x6980] =	vst v1  }
0xa4: {  	v1 =	vld [tilespmem:s24+$0x90];
	_ =	sdelay $0x4  }
0xa5: {  	v2 =	vand.u32 $0x3FFF, v1;
	v1 =	vshrl.u32 v1, $0xE  }
0xa6: {  	[tilespmem:$0x6910] =	vst v2  }
0xa7: {  	[tilespmem:$0x6990] =	vst v1  }
0xa8: {  	v1 =	vld [tilespmem:s24+$0xA0];
	_ =	sdelay $0x4  }
0xa9: {  	v2 =	vand.u32 $0x3FFF, v1;
	v1 =	vshrl.u32 v1, $0xE  }
0xaa: {  	[tilespmem:$0x6920] =	vst v2  }
0xab: {  	[tilespmem:$0x69A0] =	vst v1  }
0xac: {  	v1 =	vld [tilespmem:s24+$0xB0];
	_ =	sdelay $0x4  }
0xad: {  	v2 =	vand.u32 $0x3FFF, v1;
	v1 =	vshrl.u32 v1, $0xE  }
0xae: {  	[tilespmem:$0x6930] =	vst v2  }
0xaf: {  	[tilespmem:$0x69B0] =	vst v1  }
0xb0: {  	v1 =	vld [tilespmem:s24+$0xC0];
	_ =	sdelay $0x4  }
0xb1: {  	v2 =	vand.u32 $0x3FFF, v1;
	v1 =	vshrl.u32 v1, $0xE  }
0xb2: {  	[tilespmem:$0x6940] =	vst v2  }
0xb3: {  	[tilespmem:$0x69C0] =	vst v1  }
0xb4: {  	v1 =	vld [tilespmem:s24+$0xD0];
	_ =	sdelay $0x4  }
0xb5: {  	v2 =	vand.u32 $0x3FFF, v1;
	v1 =	vshrl.u32 v1, $0xE  }
0xb6: {  	[tilespmem:$0x6950] =	vst v2  }
0xb7: {  	[tilespmem:$0x69D0] =	vst v1  }
0xb8: {  	v1 =	vld [tilespmem:s24+$0xE0];
	_ =	sdelay $0x4  }
0xb9: {  	v2 =	vand.u32 $0x3FFF, v1;
	v1 =	vshrl.u32 v1, $0xE  }
0xba: {  	[tilespmem:$0x6960] =	vst v2  }
0xbb: {  	[tilespmem:$0x69E0] =	vst v1  }
0xbc: {  	v1 =	vld [tilespmem:s24+$0xF0];
	_ =	sdelay $0x4  }
0xbd: {  	v2 =	vand.u32 $0x3FFF, v1;
	v1 =	vshrl.u32 v1, $0xE  }
0xbe: {  	p1 =	seq.s32 s25, $0x9C00;
	[tilespmem:$0x6970] =	vst v2  }
0xbf: {  	s24 =	sshra.s32 @!p1 s25, $0x2;
	[tilespmem:$0x69F0] =	vst v1  }
0xc0: {  	[tilespmem:s18], [sflag:$0x2] =	stream.indirect.gather [hbm4b:s4+s15], $0x80, s17, s15, $0xb8;
	[tilespmem:$0x1E600] =	vst v63  }
0xc1: {  	_ =	swait.ge [sflag:s19], $0x4000  }
0xc2: {  	[sflag:s19] =	ssyncset.done $0x0  }
0xc3: {  	[sflag:s19] =	ssyncadd.s32 $0xFFFFC000  }
0xc4: {  	[spmem:s2] =	stream.indirect.scatter.add.f32 [tilespmem:s13], [sflag:$0x3], $0x80, s20, s15, $0xb8;
	[tilespmem:$0x1E600] =	vst v63  }
0xc5: {  	_ =	swait.ge [sflag:s14], $0x4000  }
0xc6: {  	[sflag:s14] =	ssyncset.done $0x0  }
0xc7: {  	[sflag:s14] =	ssyncadd.s32 $0xFFFFC000  }
0xc8: {  	v1 =	vld @!p1 [tilespmem:s24+$0x100];
	_ =	sdelay $0x4  }
0xc9: {  	v2 =	vand.u32 @!p1 $0x3FFF, v1;
	v1 =	vshrl.u32 @!p1 v1, $0xE  }
0xca: {  	[tilespmem:$0x2800] =	vst @!p1 v2  }
0xcb: {  	[tilespmem:$0x2880] =	vst @!p1 v1  }
0xcc: {  	v1 =	vld @!p1 [tilespmem:s24+$0x110];
	_ =	sdelay $0x4  }
0xcd: {  	v2 =	vand.u32 @!p1 $0x3FFF, v1;
	v1 =	vshrl.u32 @!p1 v1, $0xE  }
0xce: {  	[tilespmem:$0x2810] =	vst @!p1 v2  }
0xcf: {  	[tilespmem:$0x2890] =	vst @!p1 v1  }
0xd0: {  	v1 =	vld @!p1 [tilespmem:s24+$0x120];
	_ =	sdelay $0x4  }
0xd1: {  	v2 =	vand.u32 @!p1 $0x3FFF, v1;
	v1 =	vshrl.u32 @!p1 v1, $0xE  }
0xd2: {  	[tilespmem:$0x2820] =	vst @!p1 v2  }
0xd3: {  	[tilespmem:$0x28A0] =	vst @!p1 v1  }
0xd4: {  	v1 =	vld @!p1 [tilespmem:s24+$0x130];
	_ =	sdelay $0x4  }
0xd5: {  	v2 =	vand.u32 @!p1 $0x3FFF, v1;
	v1 =	vshrl.u32 @!p1 v1, $0xE  }
0xd6: {  	[tilespmem:$0x2830] =	vst @!p1 v2  }
0xd7: {  	[tilespmem:$0x28B0] =	vst @!p1 v1  }
0xd8: {  	v1 =	vld @!p1 [tilespmem:s24+$0x140];
	_ =	sdelay $0x4  }
0xd9: {  	v2 =	vand.u32 @!p1 $0x3FFF, v1;
	v1 =	vshrl.u32 @!p1 v1, $0xE  }
0xda: {  	[tilespmem:$0x2840] =	vst @!p1 v2  }
0xdb: {  	[tilespmem:$0x28C0] =	vst @!p1 v1  }
0xdc: {  	v1 =	vld @!p1 [tilespmem:s24+$0x150];
	_ =	sdelay $0x4  }
0xdd: {  	v2 =	vand.u32 @!p1 $0x3FFF, v1;
	v1 =	vshrl.u32 @!p1 v1, $0xE  }
0xde: {  	[tilespmem:$0x2850] =	vst @!p1 v2  }
0xdf: {  	s26 =	simm.s32 @!p1 $0x80;
	s28 =	simm.s32 @!p1 $0x2800;
	s29 =	simm.s32 @!p1 $0x2900;
	[tilespmem:$0x28D0] =	vst @!p1 v1  }
0xe0: {  	v1 =	vld @!p1 [tilespmem:s24+$0x160];
	_ =	sdelay $0x1  }
.Ltmp1:
0xe1: {  	(pc) =	sbr.rel @p0 .LBB2_4-.Ltmp1, $3  }
0xe2: {  	_ =	sdelay $0x1  }
0xe3: {  	v2 =	vand.u32 @!p1 $0x3FFF, v1;
	v1 =	vshrl.u32 @!p1 v1, $0xE  }
0xe4: {  	[tilespmem:$0x2860] =	vst @!p1 v2  }
0xe5: {  	[tilespmem:$0x28E0] =	vst @!p1 v1  }
0xe6: {  	v1 =	vld @!p1 [tilespmem:s24+$0x170];
	_ =	sdelay $0x4  }
0xe7: {  	v2 =	vand.u32 @!p1 $0x3FFF, v1  }
0xe8: {  	v1 =	vshrl.u32 @!p1 v1, $0xE;
	[tilespmem:$0x2870] =	vst @!p1 v2  }
0xe9: {  	[tilespmem:$0x28F0] =	vst @!p1 v1  }
0xea: {  	[tilespmem:s29], [sflag:$0x1] =	stream.indirect.gather @!p1 [hbm4b:s4+s26], $0x80, s28, s26, $0xb8;
	[tilespmem:$0x1E600] =	vst v63  }
0xeb: {  	_ =	swait.ge [sflag:s21], $0x4000  }
0xec: {  	[sflag:s21] =	ssyncset.done $0x0  }
0xed: {  	[sflag:s21] =	ssyncadd.s32 $0xFFFFC000  }
0xee: {  	[spmem:s2] =	stream.indirect.scatter.add.f32 [tilespmem:s18], [sflag:$0x3], $0x80, s22, s15, $0xb8;
	[tilespmem:$0x1E600] =	vst v63  }
0xef: {  	_ =	swait.ge [sflag:s14], $0x4000  }
0xf0: {  	s23 =	sshll.u32 s0, $0x6;
	s3 =	sadd.s32 $0x1, s3;
	[sflag:s14] =	ssyncset.done $0x0  }
0xf1: {  	s31 =	sshrl.u32 s5, $0x3;
	p0 =	sne.s32 s3, s12;
	[sflag:s14] =	ssyncadd.s32 $0xFFFFC000  }
.Ltmp2:
0xf2: {  	s23 =	sor.u32 $0x1C03, s23;
	[bflag:$0x0] =	sbarrier.arrive $0xFFFF;
	(pc) =	sbr.rel @p0 .LBB2_1-.Ltmp2, $4  }
0xf3: {  	[hbm:s11], [sflag:s23] =	dma.local [spmem:s31], $0x2780  }
0xf4: {  	_ =	swait.ge [sflag:s14], $0x2780  }
0xf5: {  	[sflag:s14] =	ssyncset.done $0x0  }
0xf6: {  	[sflag:s14] =	ssyncadd.s32 $0xFFFFD880  }
0xf7: {  	_ =	sfence.sel $0x180000  }
0xf8: {  	[bflag:$0x0] =	sbarrier.arrive $0xFFFF  }
0xf9: {  	p0 =	sne.s32 s0, $0x0;
	_ =	strace $0x9000004A  }
0xfa: {  	s0 =	sadd.s32 @!p0 $0x100000, s1;
	[bflag:$0x2] =	sbarrier.arrive $0xFFFF  }
0xfb: {  	[sflag:s0] =	ssyncadd.tile.s32 @!p0 $0x1;
	_ =	shalt  }
.Lfunc_end2:
_tile_overlayer_lowered:
.L_overlay_start_2:
0xfc: {  	(tag) =	ssettag $0x2  }
0xfd: {  	s0 =	rddreg [dreg:$0x0];
	s2 =	stileid.u32  }
0xfe: {  	s1 =	rddreg [dreg:$0x1];
	p0 =	sne.s32 s2, $0x0  }
0xff: {  	s3 =	rddreg [dreg:$0x2];
	[bflag:$0x3] =	sbarrier.arrive $0xFFFF;
	s2 =	simm.s32 @!p0 $0x1C03  }
0x100: {  	[timem:s3], [sflag:s2] =	dma.local @!p0 [hbm:s0], s1  }
0x101: {  	s0 =	simm.s32 @!p0 $0x3  }
0x102: {  	_ =	swait.ge @!p0 [sflag:s0], s1  }
0x103: {  	s1 =	ssub.s32 @!p0 $0x0, s1;
	[sflag:s0] =	ssyncset.done @!p0 $0x0  }
0x104: {  	[sflag:s0] =	ssyncadd.s32 @!p0 s1  }
0x105: {  	[bflag:$0x3] =	sbarrier.arrive $0xFFFF  }
0x106: {  	_ =	shalt  }

</sc_bundles>
